<compile_context>
chip_gen: v7x
topology: tpu7x:2x2x1
jax: 0.10.2.dev20260603
libtpu: 0.0.44.dev20260713+nightly
codegen_flags: <defaults>
</compile_context>

<pallas_src>
import functools

import jax
import jax.numpy as jnp
from jax import lax
from jax.experimental import pallas as pl
from jax.experimental.pallas import tpu as pltpu
from jax.experimental.pallas import tpu_sc as plsc

N_NODES = 10000
N_EDGES = 320000
D_FEAT = 128
HIDDEN = 64
N_REL = 4

NC = 2
NS = 16
NW = NC * NS
L = 16

EPT = N_EDGES // NW
CHUNK = 128
NCHUNK = N_EDGES // CHUNK
N_PAD = 10240
ROWS_PER_TILE = N_PAD // NS


def _chunk_start(w):
    return (NCHUNK * w // NW) // 8 * 8


_COUNTS = sorted({
    (NCHUNK if w == NW - 1 else _chunk_start(w + 1)) - _chunk_start(w)
    for w in range(NW)
})
MAXC = max(_COUNTS)
QUAD = 4
NBUF = 8
assert all(c % QUAD == 0 for c in _COUNTS)
assert all(c >= 2 * QUAD for c in _COUNTS)

@functools.lru_cache(maxsize=None)
def _make_degrees_and_gidx():
    mesh = plsc.VectorSubcoreMesh(
        core_axis_name="c", subcore_axis_name="s", num_cores=NC, num_subcores=NS
    )
    return functools.partial(
        pl.kernel,
        out_type=(
            jax.ShapeDtypeStruct((NW, 1, N_NODES), jnp.float32),
            jax.ShapeDtypeStruct((NW, 1, N_NODES), jnp.float32),
            jax.ShapeDtypeStruct((N_EDGES,), jnp.int32),
        ),
        mesh=mesh,
        compiler_params=pltpu.CompilerParams(
            needs_layout_passes=False, use_tc_tiling_on_sc=False
        ),
        scratch_types=[
            pltpu.VMEM((N_NODES,), jnp.float32),
            pltpu.VMEM((N_NODES,), jnp.float32),
            pltpu.VMEM((EPT,), jnp.int32),
            pltpu.VMEM((EPT,), jnp.int32),
            pltpu.VMEM((EPT,), jnp.int32),
            pltpu.VMEM((EPT,), jnp.int32),
            pltpu.SemaphoreType.DMA,
        ],
    )(_degrees_and_gidx_body)


def _degrees_and_gidx_body(sen_hbm, rcv_hbm, et_hbm, hs_out, hr_out, gx_out,
                           hs, hr, sen, rcv, et, gix, ldsem):
    cid = lax.axis_index("c")
    sid = lax.axis_index("s")
    wid = sid * NC + cid
    base = wid * EPT

    pltpu.async_copy(sen_hbm.at[pl.ds(base, EPT)], sen, ldsem)
    pltpu.async_copy(rcv_hbm.at[pl.ds(base, EPT)], rcv, ldsem)
    pltpu.async_copy(et_hbm.at[pl.ds(base, EPT)], et, ldsem)

    def zero_body(j, _):
        z = jnp.zeros((L,), jnp.float32)
        hs[pl.ds(j * L, L)] = z
        hr[pl.ds(j * L, L)] = z
        return 0

    lax.fori_loop(0, N_NODES // L, zero_body, 0)

    pltpu.make_async_copy(sen_hbm.at[pl.ds(base, EPT)], sen, ldsem).wait()
    pltpu.make_async_copy(rcv_hbm.at[pl.ds(base, EPT)], rcv, ldsem).wait()
    pltpu.make_async_copy(et_hbm.at[pl.ds(base, EPT)], et, ldsem).wait()

    ones = jnp.ones((L,), jnp.float32)

    def body(k, _):
        s_v = sen[pl.ds(k * L, L)]
        r_v = rcv[pl.ds(k * L, L)]
        t_v = et[pl.ds(k * L, L)]
        plsc.addupdate_scatter(hs, [s_v], ones)
        plsc.addupdate_scatter(hr, [r_v], ones)
        gix[pl.ds(k * L, L)] = t_v * N_NODES + s_v
        return 0

    lax.fori_loop(0, EPT // L, body, 0)

    pltpu.sync_copy(gix, gx_out.at[pl.ds(base, EPT)])
    pltpu.sync_copy(hs, hs_out.at[wid, 0])
    pltpu.sync_copy(hr, hr_out.at[wid, 0])


BN = 1000


def _rel_matmul_body(hs_ref, nodes_ref, k_ref, out_ref):
    sdeg_col = lax.dot_general(
        hs_ref[...], jnp.ones((NW, 1), jnp.float32),
        (((0,), (0,)), ((), ())), preferred_element_type=jnp.float32)
    ns_col = lax.rsqrt(jnp.maximum(sdeg_col, 1.0))
    x = nodes_ref[...] * ns_col
    out_ref[...] = jnp.dot(x, k_ref[0], preferred_element_type=jnp.float32)


_rel_matmul = pl.pallas_call(
    _rel_matmul_body,
    grid=(N_REL,),
    in_specs=[
        pl.BlockSpec((NW, N_NODES), lambda r: (0, 0)),
        pl.BlockSpec((N_NODES, D_FEAT), lambda r: (0, 0)),
        pl.BlockSpec((1, D_FEAT, HIDDEN), lambda r: (r, 0, 0)),
    ],
    out_specs=pl.BlockSpec((N_NODES, HIDDEN), lambda r: (r, 0)),
    out_shape=jax.ShapeDtypeStruct((N_REL * N_NODES, HIDDEN), jnp.float32),
)


@functools.lru_cache(maxsize=None)
def _make_edge_aggregate():
    mesh = plsc.VectorSubcoreMesh(
        core_axis_name="c", subcore_axis_name="s", num_cores=NC, num_subcores=NS
    )
    return functools.partial(
        pl.kernel,
        out_type=jax.ShapeDtypeStruct((NC, N_PAD, HIDDEN), jnp.float32),
        mesh=mesh,
        compiler_params=pltpu.CompilerParams(
            needs_layout_passes=False, use_tc_tiling_on_sc=False
        ),
        scratch_types=[
            pltpu.VMEM_SHARED((N_PAD, HIDDEN), jnp.float32),
            pltpu.VMEM((MAXC, CHUNK), jnp.int32),
            pltpu.VMEM((MAXC, CHUNK), jnp.int32),
        ]
        + [pltpu.VMEM((CHUNK, HIDDEN), jnp.float32) for _ in range(NBUF)]
        + [pltpu.SemaphoreType.DMA for _ in range(2 * NBUF)],
    )(_edge_aggregate_body)


def _edge_aggregate_body(a_hbm, gx_hbm, rc_hbm, z_hbm, out_hbm,
                         agg_sh, gix, rcv, *rest):
    bufs = rest[:NBUF]
    gsems = rest[NBUF:2 * NBUF]
    ssems = rest[2 * NBUF:]
    cid = lax.axis_index("c")
    sid = lax.axis_index("s")
    wid = sid * NC + cid

    start = _chunk_start(wid)
    cnt = jnp.where(wid == NW - 1, NCHUNK, _chunk_start(wid + 1)) - start
    for c in _COUNTS:
        @pl.when(cnt == c)
        def _(c=c):
            pltpu.async_copy(gx_hbm.at[pl.ds(start, c)], gix.at[pl.ds(0, c)],
                             gsems[0])
            pltpu.async_copy(rc_hbm.at[pl.ds(start, c)], rcv.at[pl.ds(0, c)],
                             gsems[1])

    pltpu.sync_copy(z_hbm, agg_sh.at[pl.ds(sid * ROWS_PER_TILE, ROWS_PER_TILE)])

    for c in _COUNTS:
        @pl.when(cnt == c)
        def _(c=c):
            pltpu.make_async_copy(gx_hbm.at[pl.ds(start, c)],
                                  gix.at[pl.ds(0, c)], gsems[0]).wait()
            pltpu.make_async_copy(rc_hbm.at[pl.ds(start, c)],
                                  rcv.at[pl.ds(0, c)], gsems[1]).wait()

    plsc.subcore_barrier()

    for b in range(QUAD):
        pltpu.async_copy(a_hbm.at[gix.at[b]], bufs[b], gsems[b])

    def quad(i, _):
        k0 = QUAD * i
        even = (i % 2) == 0
        for bank0 in (0, QUAD):
            @pl.when(even if bank0 == 0 else jnp.logical_not(even))
            def _(bank0=bank0):
                for b in range(QUAD):
                    buf = bank0 + b
                    pltpu.make_async_copy(
                        a_hbm.at[gix.at[k0 + b]], bufs[buf], gsems[buf]).wait()
                    pltpu.async_copy(
                        bufs[buf], agg_sh.at[rcv.at[k0 + b]], ssems[buf], add=True)
                for b in range(QUAD):
                    buf = (bank0 + QUAD + b) % NBUF
                    k_next = k0 + QUAD + b

                    @pl.when(k_next < cnt)
                    def _(buf=buf, k_next=k_next):
                        @pl.when(i > 0)
                        def _():
                            pltpu.make_async_copy(
                                bufs[buf], agg_sh.at[rcv.at[0]], ssems[buf]).wait()
                        pltpu.async_copy(
                            a_hbm.at[gix.at[k_next]], bufs[buf], gsems[buf])
        return 0

    lax.fori_loop(0, cnt // QUAD, quad, 0)

    for b in range(NBUF):
        pltpu.make_async_copy(bufs[b], agg_sh.at[rcv.at[0]], ssems[b]).wait()

    plsc.subcore_barrier()

    r0 = sid * ROWS_PER_TILE
    pltpu.sync_copy(agg_sh.at[pl.ds(r0, ROWS_PER_TILE)],
                    out_hbm.at[cid, pl.ds(r0, ROWS_PER_TILE)])


def _finalize_body(parts_ref, hr_ref, nn_ref, w_ref, b_ref, out_ref):
    rdeg = jnp.sum(hr_ref[...], axis=0)
    nr = lax.rsqrt(jnp.maximum(rdeg, 1.0))
    nr_row = jnp.concatenate(
        [nr, jnp.zeros((N_PAD - N_NODES,), jnp.float32)]
    ).reshape(1, N_PAD)
    h = jnp.maximum(parts_ref[0] + parts_ref[1], 0.0)
    pooled = jnp.dot(nr_row, h, preferred_element_type=jnp.float32)
    cnt = jnp.maximum(nn_ref[0].astype(jnp.float32), 1.0)
    emb = pooled / cnt
    out_ref[...] = jnp.dot(emb, w_ref[...], preferred_element_type=jnp.float32) + b_ref[...]


_finalize = pl.pallas_call(
    _finalize_body,
    in_specs=[
        pl.BlockSpec(memory_space=pltpu.VMEM),
        pl.BlockSpec(memory_space=pltpu.VMEM),
        pl.BlockSpec(memory_space=pltpu.SMEM),
        pl.BlockSpec(memory_space=pltpu.VMEM),
        pl.BlockSpec(memory_space=pltpu.VMEM),
    ],
    out_shape=jax.ShapeDtypeStruct((1, HIDDEN), jnp.float32),
)


def kernel(nodes, senders, receivers, edge_types, n_node, kernels_0,
           dense_kernel, dense_bias):
    hist_s, hist_r, gidx = _make_degrees_and_gidx()(senders, receivers, edge_types)
    a_tab = _rel_matmul(hist_s.reshape(NW, N_NODES), nodes, kernels_0)
    zeros = jnp.zeros((ROWS_PER_TILE, HIDDEN), jnp.float32)
    parts = _make_edge_aggregate()(
        a_tab,
        gidx.reshape(NCHUNK, CHUNK),
        receivers.reshape(NCHUNK, CHUNK),
        zeros,
    )
    out = _finalize(parts, hist_r.reshape(NW, N_NODES), n_node, dense_kernel,
                    dense_bias.reshape(1, HIDDEN))
    return out.reshape(HIDDEN)

# --- scband reference (transcript-rebuilt; emitter-appended) ---
"""Pipeline reference for scband-rgcn-no-jraph-39290360824134 (READ-ONLY COPY).

The authoritative reference and input builder live on the scoring server;
editing this copy changes nothing except your own understanding.
"""

import jax, jax.numpy as jnp
import numpy as np

N_NODES = 10000
N_EDGES = 320000
D_FEAT = 128
HIDDEN = 64
OUT_DIM = 64
N_REL = 4


def setup_inputs(seed: int = 0) -> dict:
    key = jax.random.key(seed)
    ks = jax.random.split(key, 7)
    nodes = jax.random.normal(ks[0], (N_NODES, D_FEAT), dtype=jnp.float32)
    senders = jax.random.randint(ks[1], (N_EDGES,), 0, N_NODES, dtype=jnp.int32)
    receivers = jax.random.randint(ks[2], (N_EDGES,), 0, N_NODES, dtype=jnp.int32)
    edge_types = jax.random.randint(ks[3], (N_EDGES,), 0, N_REL, dtype=jnp.int32)
    n_node = jnp.full((1,), N_NODES, dtype=jnp.int32)
    # learned params sized per init_kwargs (lecun_normal-style init)
    kernels_0 = jax.random.normal(ks[4], (N_REL, D_FEAT, HIDDEN), dtype=jnp.float32) * (1.0 / np.sqrt(D_FEAT))
    dense_kernel = jax.random.normal(ks[5], (HIDDEN, OUT_DIM), dtype=jnp.float32) * (1.0 / np.sqrt(HIDDEN))
    dense_bias = jnp.zeros((OUT_DIM,), dtype=jnp.float32)
    return {"nodes": nodes, "senders": senders, "receivers": receivers,
            "edge_types": edge_types, "n_node": n_node, "kernels_0": kernels_0,
            "dense_kernel": dense_kernel, "dense_bias": dense_bias}


def _rgcn_layer(h, senders, receivers, edge_types, kernels):
    num_nodes = h.shape[0]
    sender_features = h[senders]
    num_rel = kernels.shape[0]
    # messages[e] = sender_features[e] @ kernels[edge_types[e]]
    # (mathematically identical to einsum('eif,ei->ef', kernels[edge_types], sender_features),
    #  computed per relation to avoid materializing the [E, in, out] gathered kernel tensor)
    messages = jnp.zeros((senders.shape[0], kernels.shape[-1]), dtype=h.dtype)
    for r in range(num_rel):
        mask = (edge_types == r).astype(h.dtype)
        messages = messages + mask[:, None] * (sender_features @ kernels[r])
    ones = jnp.ones_like(senders, dtype=jnp.float32)
    sender_degree = jax.ops.segment_sum(ones, senders, num_segments=num_nodes)
    receiver_degree = jax.ops.segment_sum(ones, receivers, num_segments=num_nodes)
    norm_senders = jax.lax.rsqrt(jnp.maximum(sender_degree, 1.0))
    norm_receivers = jax.lax.rsqrt(jnp.maximum(receiver_degree, 1.0))
    messages = messages * norm_senders[senders, None]
    aggregated = jax.ops.segment_sum(messages, receivers, num_segments=num_nodes)
    aggregated = aggregated * norm_receivers[:, None]
    return aggregated


def reference(nodes, senders, receivers, edge_types, n_node, kernels_0, dense_kernel, dense_bias):
    h = jax.nn.relu(_rgcn_layer(nodes, senders, receivers, edge_types, kernels_0))
    num_graphs = n_node.shape[0]
    num_total_nodes = h.shape[0]
    nodes_per_graph = num_total_nodes // num_graphs
    segment_ids = jnp.repeat(jnp.arange(num_graphs), repeats=nodes_per_graph)
    graph_sum = jax.ops.segment_sum(h, segment_ids, num_segments=num_graphs)
    true_node_counts = jnp.maximum(n_node[:, None].astype(jnp.float32), 1.0)
    graph_embeddings = graph_sum / true_node_counts
    output = graph_embeddings @ dense_kernel + dense_bias
    return jnp.squeeze(output, axis=0)

if __name__ == "__main__":
    import jax
    _d = setup_inputs()
    print(jax.jit(kernel)(*tuple(_d.values())))

</pallas_src>

<mosaic_0001>
#map = affine_map<(d0, d1) -> (0)>
#map1 = affine_map<(d0, d1) -> (0, 0, 0)>
module attributes {stable_mosaic.version = 14 : i64} {
  func.func @_degrees_and_gidx_body(%arg0: i32, %arg1: i32, %arg2: memref<320000xi32, #tpu.memory_space<hbm>>, %arg3: memref<320000xi32, #tpu.memory_space<hbm>>, %arg4: memref<320000xi32, #tpu.memory_space<hbm>>, %arg5: memref<32x1x10000xf32, #tpu.memory_space<hbm>>, %arg6: memref<32x1x10000xf32, #tpu.memory_space<hbm>>, %arg7: memref<320000xi32, #tpu.memory_space<hbm>>, %arg8: memref<10000xf32, #tpu.memory_space<vmem>>, %arg9: memref<10000xf32, #tpu.memory_space<vmem>>, %arg10: memref<10000xi32, #tpu.memory_space<vmem>>, %arg11: memref<10000xi32, #tpu.memory_space<vmem>>, %arg12: memref<10000xi32, #tpu.memory_space<vmem>>, %arg13: memref<10000xi32, #tpu.memory_space<vmem>>, %arg14: memref<!tpu.dma_semaphore, #tpu.memory_space<semaphore_mem>>) attributes {dimension_semantics = [#tpu.dimension_semantics<core_parallel>, #tpu.dimension_semantics<subcore_parallel>], iteration_bounds = array<i64: 2, 16>, scalar_prefetch = 0 : i64, scratch_operands = 7 : i64, tpu.core_type = #tpu.core_type<sc_vector_subcore>, window_params = [{transform_indices = #map}, {transform_indices = #map}, {transform_indices = #map}, {transform_indices = #map1}, {transform_indices = #map1}, {transform_indices = #map}]} {
    %mul3A = arith.constant 2 : i32
    %mul3A_0 = arith.muli %arg1, %mul3A : i32
    %add3A = arith.addi %mul3A_0, %arg0 : i32
    %mul3A_1 = arith.constant 10000 : i32
    %mul3A_2 = arith.muli %add3A, %mul3A_1 : i32
    %dma_start3A = tpu.memref_slice %arg2[%mul3A_2] : memref<320000xi32, #tpu.memory_space<hbm>> -> memref<10000xi32, #tpu.memory_space<hbm>>
    %dma_start3A_3 = tpu.memref_slice %arg2[%mul3A_2] : memref<320000xi32, #tpu.memory_space<hbm>> -> memref<10000xi32, #tpu.memory_space<hbm>>
    tpu.enqueue_dma source(%dma_start3A_3 : memref<10000xi32, #tpu.memory_space<hbm>>) target(%arg10 : memref<10000xi32, #tpu.memory_space<vmem>>) target_semaphore(%arg14 : memref<!tpu.dma_semaphore, #tpu.memory_space<semaphore_mem>>)
    %dma_start3A_4 = tpu.memref_slice %arg3[%mul3A_2] : memref<320000xi32, #tpu.memory_space<hbm>> -> memref<10000xi32, #tpu.memory_space<hbm>>
    %dma_start3A_5 = tpu.memref_slice %arg3[%mul3A_2] : memref<320000xi32, #tpu.memory_space<hbm>> -> memref<10000xi32, #tpu.memory_space<hbm>>
    tpu.enqueue_dma source(%dma_start3A_5 : memref<10000xi32, #tpu.memory_space<hbm>>) target(%arg11 : memref<10000xi32, #tpu.memory_space<vmem>>) target_semaphore(%arg14 : memref<!tpu.dma_semaphore, #tpu.memory_space<semaphore_mem>>)
    %dma_start3A_6 = tpu.memref_slice %arg4[%mul3A_2] : memref<320000xi32, #tpu.memory_space<hbm>> -> memref<10000xi32, #tpu.memory_space<hbm>>
    %dma_start3A_7 = tpu.memref_slice %arg4[%mul3A_2] : memref<320000xi32, #tpu.memory_space<hbm>> -> memref<10000xi32, #tpu.memory_space<hbm>>
    tpu.enqueue_dma source(%dma_start3A_7 : memref<10000xi32, #tpu.memory_space<hbm>>) target(%arg12 : memref<10000xi32, #tpu.memory_space<vmem>>) target_semaphore(%arg14 : memref<!tpu.dma_semaphore, #tpu.memory_space<semaphore_mem>>)
    %scan3A = arith.constant 0 : i32
    %scan3A_8 = arith.constant 0 : i32
    %scan3A_9 = arith.constant 625 : i32
    %scan3A_10 = arith.addi %scan3A_8, %scan3A_9 : i32
    %scan3A_11 = arith.constant 1 : i32
    %scan3A_12 = scf.for %scan3A_28 = %scan3A_8 to %scan3A_10 step %scan3A_11 iter_args(%scan3A_29 = %scan3A) -> (i32)  : i32 {
      %broadcast_in_dim3A_30 = arith.constant 0.000000e+00 : f32
      %broadcast_in_dim3A_31 = vector.broadcast %broadcast_in_dim3A_30 : f32 to vector<16xf32>
      %mul3A_32 = arith.constant 16 : i32
      %mul3A_33 = arith.muli %scan3A_28, %mul3A_32 : i32
      %swap3A = arith.index_cast %mul3A_33 : i32 to index
      %swap3A_34 = tpu.vector_load %arg8[%swap3A] {strides = array<i32>} : memref<10000xf32, #tpu.memory_space<vmem>>, vector<16xf32>,
      tpu.vector_store %arg8[%swap3A], %broadcast_in_dim3A_31 {strides = array<i32>} : memref<10000xf32, #tpu.memory_space<vmem>>, vector<16xf32>,
      %mul3A_35 = arith.constant 16 : i32
      %mul3A_36 = arith.muli %scan3A_28, %mul3A_35 : i32
      %swap3A_37 = arith.index_cast %mul3A_36 : i32 to index
      %swap3A_38 = tpu.vector_load %arg9[%swap3A_37] {strides = array<i32>} : memref<10000xf32, #tpu.memory_space<vmem>>, vector<16xf32>,
      tpu.vector_store %arg9[%swap3A_37], %broadcast_in_dim3A_31 {strides = array<i32>} : memref<10000xf32, #tpu.memory_space<vmem>>, vector<16xf32>,
      %scan3A_39 = arith.constant 0 : i32
      scf.yield %scan3A_39 : i32
    }
    %scan3A_13 = arith.constant 625 : i32
    %dma_wait3A = tpu.memref_slice %arg2[%mul3A_2] : memref<320000xi32, #tpu.memory_space<hbm>> -> memref<10000xi32, #tpu.memory_space<hbm>>
    %dma_wait3A_14 = tpu.memref_slice %arg2[%mul3A_2] : memref<320000xi32, #tpu.memory_space<hbm>> -> memref<10000xi32, #tpu.memory_space<hbm>>
    tpu.wait_dma2 semaphore(%arg14 : memref<!tpu.dma_semaphore, #tpu.memory_space<semaphore_mem>>) src(%dma_wait3A_14 : memref<10000xi32, #tpu.memory_space<hbm>>) dst(%arg10 : memref<10000xi32, #tpu.memory_space<vmem>>)
    %dma_wait3A_15 = tpu.memref_slice %arg3[%mul3A_2] : memref<320000xi32, #tpu.memory_space<hbm>> -> memref<10000xi32, #tpu.memory_space<hbm>>
    %dma_wait3A_16 = tpu.memref_slice %arg3[%mul3A_2] : memref<320000xi32, #tpu.memory_space<hbm>> -> memref<10000xi32, #tpu.memory_space<hbm>>
    tpu.wait_dma2 semaphore(%arg14 : memref<!tpu.dma_semaphore, #tpu.memory_space<semaphore_mem>>) src(%dma_wait3A_16 : memref<10000xi32, #tpu.memory_space<hbm>>) dst(%arg11 : memref<10000xi32, #tpu.memory_space<vmem>>)
    %dma_wait3A_17 = tpu.memref_slice %arg4[%mul3A_2] : memref<320000xi32, #tpu.memory_space<hbm>> -> memref<10000xi32, #tpu.memory_space<hbm>>
    %dma_wait3A_18 = tpu.memref_slice %arg4[%mul3A_2] : memref<320000xi32, #tpu.memory_space<hbm>> -> memref<10000xi32, #tpu.memory_space<hbm>>
    tpu.wait_dma2 semaphore(%arg14 : memref<!tpu.dma_semaphore, #tpu.memory_space<semaphore_mem>>) src(%dma_wait3A_18 : memref<10000xi32, #tpu.memory_space<hbm>>) dst(%arg12 : memref<10000xi32, #tpu.memory_space<vmem>>)
    %broadcast_in_dim3A = arith.constant 1.000000e+00 : f32
    %broadcast_in_dim3A_19 = vector.broadcast %broadcast_in_dim3A : f32 to vector<16xf32>
    %scan3A_20 = arith.constant 0 : i32
    %scan3A_21 = arith.constant 0 : i32
    %scan3A_22 = arith.constant 625 : i32
    %scan3A_23 = arith.addi %scan3A_21, %scan3A_22 : i32
    %scan3A_24 = arith.constant 1 : i32
    %scan3A_25 = scf.for %scan3A_28 = %scan3A_21 to %scan3A_23 step %scan3A_24 iter_args(%scan3A_29 = %scan3A_20) -> (i32)  : i32 {
      %mul3A_30 = arith.constant 16 : i32
      %mul3A_31 = arith.muli %scan3A_28, %mul3A_30 : i32
      %get3A = arith.index_cast %mul3A_31 : i32 to index
      %get3A_32 = tpu.vector_load %arg10[%get3A] {strides = array<i32>} : memref<10000xi32, #tpu.memory_space<vmem>>, vector<16xi32>,
      %mul3A_33 = arith.constant 16 : i32
      %mul3A_34 = arith.muli %scan3A_28, %mul3A_33 : i32
      %get3A_35 = arith.index_cast %mul3A_34 : i32 to index
      %get3A_36 = tpu.vector_load %arg11[%get3A_35] {strides = array<i32>} : memref<10000xi32, #tpu.memory_space<vmem>>, vector<16xi32>,
      %mul3A_37 = arith.constant 16 : i32
      %mul3A_38 = arith.muli %scan3A_28, %mul3A_37 : i32
      %get3A_39 = arith.index_cast %mul3A_38 : i32 to index
      %get3A_40 = tpu.vector_load %arg12[%get3A_39] {strides = array<i32>} : memref<10000xi32, #tpu.memory_space<vmem>>, vector<16xi32>,
      tpu.vector_store_idx %arg8[%get3A_32], %broadcast_in_dim3A_19 {add = true} : memref<10000xf32, #tpu.memory_space<vmem>>[vector<16xi32>], vector<16xf32>,
      tpu.vector_store_idx %arg9[%get3A_36], %broadcast_in_dim3A_19 {add = true} : memref<10000xf32, #tpu.memory_space<vmem>>[vector<16xi32>], vector<16xf32>,
      %mul3A_41 = arith.constant 10000 : i32
      %mul3A_42 = vector.broadcast %mul3A_41 : i32 to vector<16xi32>
      %mul3A_43 = arith.muli %get3A_40, %mul3A_42 : vector<16xi32>
      %add3A_44 = arith.addi %mul3A_43, %get3A_32 : vector<16xi32>
      %mul3A_45 = arith.constant 16 : i32
      %mul3A_46 = arith.muli %scan3A_28, %mul3A_45 : i32
      %swap3A = arith.index_cast %mul3A_46 : i32 to index
      %swap3A_47 = tpu.vector_load %arg13[%swap3A] {strides = array<i32>} : memref<10000xi32, #tpu.memory_space<vmem>>, vector<16xi32>,
      tpu.vector_store %arg13[%swap3A], %add3A_44 {strides = array<i32>} : memref<10000xi32, #tpu.memory_space<vmem>>, vector<16xi32>,
      %scan3A_48 = arith.constant 0 : i32
      scf.yield %scan3A_48 : i32
    }
    %scan3A_26 = arith.constant 625 : i32
    "tpu.region"() ({
      %run_scoped3A_28 = tpu.sem_alloc : memref<!tpu.dma_semaphore, #tpu.memory_space<semaphore_mem>>
      %dma_start3A_29 = tpu.memref_slice %arg7[%mul3A_2] : memref<320000xi32, #tpu.memory_space<hbm>> -> memref<10000xi32, #tpu.memory_space<hbm>>
      %dma_start3A_30 = tpu.memref_slice %arg7[%mul3A_2] : memref<320000xi32, #tpu.memory_space<hbm>> -> memref<10000xi32, #tpu.memory_space<hbm>>
      tpu.enqueue_dma source(%arg13 : memref<10000xi32, #tpu.memory_space<vmem>>) target(%dma_start3A_30 : memref<10000xi32, #tpu.memory_space<hbm>>) target_semaphore(%run_scoped3A_28 : memref<!tpu.dma_semaphore, #tpu.memory_space<semaphore_mem>>)
      %dma_wait3A_31 = tpu.memref_slice %arg7[%mul3A_2] : memref<320000xi32, #tpu.memory_space<hbm>> -> memref<10000xi32, #tpu.memory_space<hbm>>
      %dma_wait3A_32 = tpu.memref_slice %arg7[%mul3A_2] : memref<320000xi32, #tpu.memory_space<hbm>> -> memref<10000xi32, #tpu.memory_space<hbm>>
      tpu.wait_dma2 semaphore(%run_scoped3A_28 : memref<!tpu.dma_semaphore, #tpu.memory_space<semaphore_mem>>) src(%arg13 : memref<10000xi32, #tpu.memory_space<vmem>>) dst(%dma_wait3A_32 : memref<10000xi32, #tpu.memory_space<hbm>>)
      tpu.yield
    }) : () -> ()
    %run_scoped3A = arith.constant 0 : i32
    "tpu.region"() ({
      %run_scoped3A_28 = tpu.sem_alloc : memref<!tpu.dma_semaphore, #tpu.memory_space<semaphore_mem>>
      %dma_start3A_29 = arith.constant 0 : i32
      %dma_start3A_30 = tpu.memref_slice %arg5[%add3A, %run_scoped3A, %dma_start3A_29] : memref<32x1x10000xf32, #tpu.memory_space<hbm>> -> memref<1x1x10000xf32, #tpu.memory_space<hbm>>
      %dma_start3A_31 = tpu.memref_squeeze %dma_start3A_30 : memref<1x1x10000xf32, #tpu.memory_space<hbm>> -> memref<10000xf32, #tpu.memory_space<hbm>>
      %dma_start3A_32 = arith.constant 0 : i32
      %dma_start3A_33 = tpu.memref_slice %arg5[%add3A, %run_scoped3A, %dma_start3A_32] : memref<32x1x10000xf32, #tpu.memory_space<hbm>> -> memref<1x1x10000xf32, #tpu.memory_space<hbm>>
      %dma_start3A_34 = tpu.memref_squeeze %dma_start3A_33 : memref<1x1x10000xf32, #tpu.memory_space<hbm>> -> memref<10000xf32, #tpu.memory_space<hbm>>
      tpu.enqueue_dma source(%arg8 : memref<10000xf32, #tpu.memory_space<vmem>>) target(%dma_start3A_34 : memref<10000xf32, #tpu.memory_space<hbm>>) target_semaphore(%run_scoped3A_28 : memref<!tpu.dma_semaphore, #tpu.memory_space<semaphore_mem>>)
      %dma_wait3A_35 = arith.constant 0 : i32
      %dma_wait3A_36 = tpu.memref_slice %arg5[%add3A, %run_scoped3A, %dma_wait3A_35] : memref<32x1x10000xf32, #tpu.memory_space<hbm>> -> memref<1x1x10000xf32, #tpu.memory_space<hbm>>
      %dma_wait3A_37 = tpu.memref_squeeze %dma_wait3A_36 : memref<1x1x10000xf32, #tpu.memory_space<hbm>> -> memref<10000xf32, #tpu.memory_space<hbm>>
      %dma_wait3A_38 = arith.constant 0 : i32
      %dma_wait3A_39 = tpu.memref_slice %arg5[%add3A, %run_scoped3A, %dma_wait3A_38] : memref<32x1x10000xf32, #tpu.memory_space<hbm>> -> memref<1x1x10000xf32, #tpu.memory_space<hbm>>
      %dma_wait3A_40 = tpu.memref_squeeze %dma_wait3A_39 : memref<1x1x10000xf32, #tpu.memory_space<hbm>> -> memref<10000xf32, #tpu.memory_space<hbm>>
      tpu.wait_dma2 semaphore(%run_scoped3A_28 : memref<!tpu.dma_semaphore, #tpu.memory_space<semaphore_mem>>) src(%arg8 : memref<10000xf32, #tpu.memory_space<vmem>>) dst(%dma_wait3A_40 : memref<10000xf32, #tpu.memory_space<hbm>>)
      tpu.yield
    }) : () -> ()
    %run_scoped3A_27 = arith.constant 0 : i32
    "tpu.region"() ({
      %run_scoped3A_28 = tpu.sem_alloc : memref<!tpu.dma_semaphore, #tpu.memory_space<semaphore_mem>>
      %dma_start3A_29 = arith.constant 0 : i32
      %dma_start3A_30 = tpu.memref_slice %arg6[%add3A, %run_scoped3A_27, %dma_start3A_29] : memref<32x1x10000xf32, #tpu.memory_space<hbm>> -> memref<1x1x10000xf32, #tpu.memory_space<hbm>>
      %dma_start3A_31 = tpu.memref_squeeze %dma_start3A_30 : memref<1x1x10000xf32, #tpu.memory_space<hbm>> -> memref<10000xf32, #tpu.memory_space<hbm>>
      %dma_start3A_32 = arith.constant 0 : i32
      %dma_start3A_33 = tpu.memref_slice %arg6[%add3A, %run_scoped3A_27, %dma_start3A_32] : memref<32x1x10000xf32, #tpu.memory_space<hbm>> -> memref<1x1x10000xf32, #tpu.memory_space<hbm>>
      %dma_start3A_34 = tpu.memref_squeeze %dma_start3A_33 : memref<1x1x10000xf32, #tpu.memory_space<hbm>> -> memref<10000xf32, #tpu.memory_space<hbm>>
      tpu.enqueue_dma source(%arg9 : memref<10000xf32, #tpu.memory_space<vmem>>) target(%dma_start3A_34 : memref<10000xf32, #tpu.memory_space<hbm>>) target_semaphore(%run_scoped3A_28 : memref<!tpu.dma_semaphore, #tpu.memory_space<semaphore_mem>>)
      %dma_wait3A_35 = arith.constant 0 : i32
      %dma_wait3A_36 = tpu.memref_slice %arg6[%add3A, %run_scoped3A_27, %dma_wait3A_35] : memref<32x1x10000xf32, #tpu.memory_space<hbm>> -> memref<1x1x10000xf32, #tpu.memory_space<hbm>>
      %dma_wait3A_37 = tpu.memref_squeeze %dma_wait3A_36 : memref<1x1x10000xf32, #tpu.memory_space<hbm>> -> memref<10000xf32, #tpu.memory_space<hbm>>
      %dma_wait3A_38 = arith.constant 0 : i32
      %dma_wait3A_39 = tpu.memref_slice %arg6[%add3A, %run_scoped3A_27, %dma_wait3A_38] : memref<32x1x10000xf32, #tpu.memory_space<hbm>> -> memref<1x1x10000xf32, #tpu.memory_space<hbm>>
      %dma_wait3A_40 = tpu.memref_squeeze %dma_wait3A_39 : memref<1x1x10000xf32, #tpu.memory_space<hbm>> -> memref<10000xf32, #tpu.memory_space<hbm>>
      tpu.wait_dma2 semaphore(%run_scoped3A_28 : memref<!tpu.dma_semaphore, #tpu.memory_space<semaphore_mem>>) src(%arg9 : memref<10000xf32, #tpu.memory_space<vmem>>) dst(%dma_wait3A_40 : memref<10000xf32, #tpu.memory_space<hbm>>)
      tpu.yield
    }) : () -> ()
    return
  }
}

#map = affine_map<(d0, d1) -> (0, 0)>
#map1 = affine_map<(d0, d1) -> (0, 0, 0)>
module attributes {stable_mosaic.version = 14 : i64} {
  func.func @_edge_aggregate_body(%arg0: i32, %arg1: i32, %arg2: memref<40000x64xf32, #tpu.memory_space<hbm>>, %arg3: memref<2500x128xi32, #tpu.memory_space<hbm>>, %arg4: memref<2500x128xi32, #tpu.memory_space<hbm>>, %arg5: memref<640x64xf32, #tpu.memory_space<hbm>>, %arg6: memref<2x10240x64xf32, #tpu.memory_space<hbm>>, %arg7: memref<10240x64xf32, #tpu.memory_space<vmem_shared>>, %arg8: memref<84x128xi32, #tpu.memory_space<vmem>>, %arg9: memref<84x128xi32, #tpu.memory_space<vmem>>, %arg10: memref<128x64xf32, #tpu.memory_space<vmem>>, %arg11: memref<128x64xf32, #tpu.memory_space<vmem>>, %arg12: memref<128x64xf32, #tpu.memory_space<vmem>>, %arg13: memref<128x64xf32, #tpu.memory_space<vmem>>, %arg14: memref<128x64xf32, #tpu.memory_space<vmem>>, %arg15: memref<128x64xf32, #tpu.memory_space<vmem>>, %arg16: memref<128x64xf32, #tpu.memory_space<vmem>>, %arg17: memref<128x64xf32, #tpu.memory_space<vmem>>, %arg18: memref<!tpu.dma_semaphore, #tpu.memory_space<semaphore_mem>>, %arg19: memref<!tpu.dma_semaphore, #tpu.memory_space<semaphore_mem>>, %arg20: memref<!tpu.dma_semaphore, #tpu.memory_space<semaphore_mem>>, %arg21: memref<!tpu.dma_semaphore, #tpu.memory_space<semaphore_mem>>, %arg22: memref<!tpu.dma_semaphore, #tpu.memory_space<semaphore_mem>>, %arg23: memref<!tpu.dma_semaphore, #tpu.memory_space<semaphore_mem>>, %arg24: memref<!tpu.dma_semaphore, #tpu.memory_space<semaphore_mem>>, %arg25: memref<!tpu.dma_semaphore, #tpu.memory_space<semaphore_mem>>, %arg26: memref<!tpu.dma_semaphore, #tpu.memory_space<semaphore_mem>>, %arg27: memref<!tpu.dma_semaphore, #tpu.memory_space<semaphore_mem>>, %arg28: memref<!tpu.dma_semaphore, #tpu.memory_space<semaphore_mem>>, %arg29: memref<!tpu.dma_semaphore, #tpu.memory_space<semaphore_mem>>, %arg30: memref<!tpu.dma_semaphore, #tpu.memory_space<semaphore_mem>>, %arg31: memref<!tpu.dma_semaphore, #tpu.memory_space<semaphore_mem>>, %arg32: memref<!tpu.dma_semaphore, #tpu.memory_space<semaphore_mem>>, %arg33: memref<!tpu.dma_semaphore, #tpu.memory_space<semaphore_mem>>) attributes {dimension_semantics = [#tpu.dimension_semantics<core_parallel>, #tpu.dimension_semantics<subcore_parallel>], iteration_bounds = array<i64: 2, 16>, scalar_prefetch = 0 : i64, scratch_operands = 27 : i64, tpu.core_type = #tpu.core_type<sc_vector_subcore>, window_params = [{transform_indices = #map}, {transform_indices = #map}, {transform_indices = #map}, {transform_indices = #map}, {transform_indices = #map1}]} {
    %mul3A = arith.constant 2 : i32
    %mul3A_0 = arith.muli %arg1, %mul3A : i32
    %add3A = arith.addi %mul3A_0, %arg0 : i32
    %mul3A_1 = arith.constant 2500 : i32
    %mul3A_2 = arith.muli %mul3A_1, %add3A : i32
    %jit3A = arith.constant 32 : i32
    %div3A = arith.divsi %mul3A_2, %jit3A : i32
    %sign3A = arith.constant 0 : i32
    %sign3A_3 = arith.cmpi sgt, %mul3A_2, %sign3A : i32
    %sign3A_4 = arith.extui %sign3A_3 : i1 to i32
    %sign3A_5 = arith.constant 0 : i32
    %sign3A_6 = arith.cmpi slt, %mul3A_2, %sign3A_5 : i32
    %sign3A_7 = arith.extui %sign3A_6 : i1 to i32
    %sign3A_8 = arith.subi %sign3A_4, %sign3A_7 : i32
    %sign3A_9 = arith.constant 0 : i32
    %sign3A_10 = arith.cmpi sgt, %jit3A, %sign3A_9 : i32
    %sign3A_11 = arith.extui %sign3A_10 : i1 to i32
    %sign3A_12 = arith.constant 0 : i32
    %sign3A_13 = arith.cmpi slt, %jit3A, %sign3A_12 : i32
    %sign3A_14 = arith.extui %sign3A_13 : i1 to i32
    %sign3A_15 = arith.subi %sign3A_11, %sign3A_14 : i32
    %ne3A = arith.cmpi ne, %sign3A_8, %sign3A_15 : i32
    %rem3A = arith.remsi %mul3A_2, %jit3A : i32
    %ne3A_16 = arith.constant 0 : i32
    %ne3A_17 = arith.cmpi ne, %rem3A, %ne3A_16 : i32
    %and3A = arith.andi %ne3A, %ne3A_17 : i1
    %sub3A = arith.constant 1 : i32
    %sub3A_18 = arith.subi %div3A, %sub3A : i32
    %select_n3A = arith.select %and3A, %sub3A_18, %div3A : i32
    %jit3A_19 = arith.constant 8 : i32
    %div3A_20 = arith.divsi %select_n3A, %jit3A_19 : i32
    %sign3A_21 = arith.constant 0 : i32
    %sign3A_22 = arith.cmpi sgt, %select_n3A, %sign3A_21 : i32
    %sign3A_23 = arith.extui %sign3A_22 : i1 to i32
    %sign3A_24 = arith.constant 0 : i32
    %sign3A_25 = arith.cmpi slt, %select_n3A, %sign3A_24 : i32
    %sign3A_26 = arith.extui %sign3A_25 : i1 to i32
    %sign3A_27 = arith.subi %sign3A_23, %sign3A_26 : i32
    %sign3A_28 = arith.constant 0 : i32
    %sign3A_29 = arith.cmpi sgt, %jit3A_19, %sign3A_28 : i32
    %sign3A_30 = arith.extui %sign3A_29 : i1 to i32
    %sign3A_31 = arith.constant 0 : i32
    %sign3A_32 = arith.cmpi slt, %jit3A_19, %sign3A_31 : i32
    %sign3A_33 = arith.extui %sign3A_32 : i1 to i32
    %sign3A_34 = arith.subi %sign3A_30, %sign3A_33 : i32
    %ne3A_35 = arith.cmpi ne, %sign3A_27, %sign3A_34 : i32
    %rem3A_36 = arith.remsi %select_n3A, %jit3A_19 : i32
    %ne3A_37 = arith.constant 0 : i32
    %ne3A_38 = arith.cmpi ne, %rem3A_36, %ne3A_37 : i32
    %and3A_39 = arith.andi %ne3A_35, %ne3A_38 : i1
    %sub3A_40 = arith.constant 1 : i32
    %sub3A_41 = arith.subi %div3A_20, %sub3A_40 : i32
    %select_n3A_42 = arith.select %and3A_39, %sub3A_41, %div3A_20 : i32
    %mul3A_43 = arith.constant 8 : i32
    %mul3A_44 = arith.muli %select_n3A_42, %mul3A_43 : i32
    %eq3A = arith.constant 31 : i32
    %eq3A_45 = arith.cmpi eq, %add3A, %eq3A : i32
    %add3A_46 = arith.constant 1 : i32
    %add3A_47 = arith.addi %add3A, %add3A_46 : i32
    %mul3A_48 = arith.constant 2500 : i32
    %mul3A_49 = arith.muli %mul3A_48, %add3A_47 : i32
    %jit3A_50 = arith.constant 32 : i32
    %div3A_51 = arith.divsi %mul3A_49, %jit3A_50 : i32
    %sign3A_52 = arith.constant 0 : i32
    %sign3A_53 = arith.cmpi sgt, %mul3A_49, %sign3A_52 : i32
    %sign3A_54 = arith.extui %sign3A_53 : i1 to i32
    %sign3A_55 = arith.constant 0 : i32
    %sign3A_56 = arith.cmpi slt, %mul3A_49, %sign3A_55 : i32
    %sign3A_57 = arith.extui %sign3A_56 : i1 to i32
    %sign3A_58 = arith.subi %sign3A_54, %sign3A_57 : i32
    %sign3A_59 = arith.constant 0 : i32
    %sign3A_60 = arith.cmpi sgt, %jit3A_50, %sign3A_59 : i32
    %sign3A_61 = arith.extui %sign3A_60 : i1 to i32
    %sign3A_62 = arith.constant 0 : i32
    %sign3A_63 = arith.cmpi slt, %jit3A_50, %sign3A_62 : i32
    %sign3A_64 = arith.extui %sign3A_63 : i1 to i32
    %sign3A_65 = arith.subi %sign3A_61, %sign3A_64 : i32
    %ne3A_66 = arith.cmpi ne, %sign3A_58, %sign3A_65 : i32
    %rem3A_67 = arith.remsi %mul3A_49, %jit3A_50 : i32
    %ne3A_68 = arith.constant 0 : i32
    %ne3A_69 = arith.cmpi ne, %rem3A_67, %ne3A_68 : i32
    %and3A_70 = arith.andi %ne3A_66, %ne3A_69 : i1
    %sub3A_71 = arith.constant 1 : i32
    %sub3A_72 = arith.subi %div3A_51, %sub3A_71 : i32
    %select_n3A_73 = arith.select %and3A_70, %sub3A_72, %div3A_51 : i32
    %jit3A_74 = arith.constant 8 : i32
    %div3A_75 = arith.divsi %select_n3A_73, %jit3A_74 : i32
    %sign3A_76 = arith.constant 0 : i32
    %sign3A_77 = arith.cmpi sgt, %select_n3A_73, %sign3A_76 : i32
    %sign3A_78 = arith.extui %sign3A_77 : i1 to i32
    %sign3A_79 = arith.constant 0 : i32
    %sign3A_80 = arith.cmpi slt, %select_n3A_73, %sign3A_79 : i32
    %sign3A_81 = arith.extui %sign3A_80 : i1 to i32
    %sign3A_82 = arith.subi %sign3A_78, %sign3A_81 : i32
    %sign3A_83 = arith.constant 0 : i32
    %sign3A_84 = arith.cmpi sgt, %jit3A_74, %sign3A_83 : i32
    %sign3A_85 = arith.extui %sign3A_84 : i1 to i32
    %sign3A_86 = arith.constant 0 : i32
    %sign3A_87 = arith.cmpi slt, %jit3A_74, %sign3A_86 : i32
    %sign3A_88 = arith.extui %sign3A_87 : i1 to i32
    %sign3A_89 = arith.subi %sign3A_85, %sign3A_88 : i32
    %ne3A_90 = arith.cmpi ne, %sign3A_82, %sign3A_89 : i32
    %rem3A_91 = arith.remsi %select_n3A_73, %jit3A_74 : i32
    %ne3A_92 = arith.constant 0 : i32
    %ne3A_93 = arith.cmpi ne, %rem3A_91, %ne3A_92 : i32
    %and3A_94 = arith.andi %ne3A_90, %ne3A_93 : i1
    %sub3A_95 = arith.constant 1 : i32
    %sub3A_96 = arith.subi %div3A_75, %sub3A_95 : i32
    %select_n3A_97 = arith.select %and3A_94, %sub3A_96, %div3A_75 : i32
    %mul3A_98 = arith.constant 8 : i32
    %mul3A_99 = arith.muli %select_n3A_97, %mul3A_98 : i32
    %jit3A_100 = arith.constant 2500 : i32
    %select_n3A_101 = arith.select %eq3A_45, %jit3A_100, %mul3A_99 : i32
    %sub3A_102 = arith.subi %select_n3A_101, %mul3A_44 : i32
    %eq3A_103 = arith.constant 72 : i32
    %eq3A_104 = arith.cmpi eq, %sub3A_102, %eq3A_103 : i32
    %convert_element_type3A = arith.extui %eq3A_104 : i1 to i32
    %cond3A = arith.constant 0 : i32
    %cond3A_105 = arith.cmpi ne, %convert_element_type3A, %cond3A : i32
    scf.if %cond3A_105 {
      %dma_start3A_253 = arith.constant 0 : i32
      %dma_start3A_254 = arith.constant 0 : i32
      %dma_start3A_255 = tpu.memref_slice %arg8[%dma_start3A_253, %dma_start3A_254] : memref<84x128xi32, #tpu.memory_space<vmem>> -> memref<72x128xi32, #tpu.memory_space<vmem>>
      %dma_start3A_256 = arith.constant 0 : i32
      %dma_start3A_257 = tpu.memref_slice %arg3[%mul3A_44, %dma_start3A_256] : memref<2500x128xi32, #tpu.memory_space<hbm>> -> memref<72x128xi32, #tpu.memory_space<hbm>>
      %dma_start3A_258 = arith.constant 0 : i32
      %dma_start3A_259 = arith.constant 0 : i32
      %dma_start3A_260 = tpu.memref_slice %arg8[%dma_start3A_258, %dma_start3A_259] : memref<84x128xi32, #tpu.memory_space<vmem>> -> memref<72x128xi32, #tpu.memory_space<vmem>>
      %dma_start3A_261 = arith.constant 0 : i32
      %dma_start3A_262 = tpu.memref_slice %arg3[%mul3A_44, %dma_start3A_261] : memref<2500x128xi32, #tpu.memory_space<hbm>> -> memref<72x128xi32, #tpu.memory_space<hbm>>
      tpu.enqueue_dma source(%dma_start3A_262 : memref<72x128xi32, #tpu.memory_space<hbm>>) target(%dma_start3A_260 : memref<72x128xi32, #tpu.memory_space<vmem>>) target_semaphore(%arg18 : memref<!tpu.dma_semaphore, #tpu.memory_space<semaphore_mem>>)
      %dma_start3A_263 = arith.constant 0 : i32
      %dma_start3A_264 = arith.constant 0 : i32
      %dma_start3A_265 = tpu.memref_slice %arg9[%dma_start3A_263, %dma_start3A_264] : memref<84x128xi32, #tpu.memory_space<vmem>> -> memref<72x128xi32, #tpu.memory_space<vmem>>
      %dma_start3A_266 = arith.constant 0 : i32
      %dma_start3A_267 = tpu.memref_slice %arg4[%mul3A_44, %dma_start3A_266] : memref<2500x128xi32, #tpu.memory_space<hbm>> -> memref<72x128xi32, #tpu.memory_space<hbm>>
      %dma_start3A_268 = arith.constant 0 : i32
      %dma_start3A_269 = arith.constant 0 : i32
      %dma_start3A_270 = tpu.memref_slice %arg9[%dma_start3A_268, %dma_start3A_269] : memref<84x128xi32, #tpu.memory_space<vmem>> -> memref<72x128xi32, #tpu.memory_space<vmem>>
      %dma_start3A_271 = arith.constant 0 : i32
      %dma_start3A_272 = tpu.memref_slice %arg4[%mul3A_44, %dma_start3A_271] : memref<2500x128xi32, #tpu.memory_space<hbm>> -> memref<72x128xi32, #tpu.memory_space<hbm>>
      tpu.enqueue_dma source(%dma_start3A_272 : memref<72x128xi32, #tpu.memory_space<hbm>>) target(%dma_start3A_270 : memref<72x128xi32, #tpu.memory_space<vmem>>) target_semaphore(%arg19 : memref<!tpu.dma_semaphore, #tpu.memory_space<semaphore_mem>>)
    } else {
    }
    %eq3A_106 = arith.constant 80 : i32
    %eq3A_107 = arith.cmpi eq, %sub3A_102, %eq3A_106 : i32
    %convert_element_type3A_108 = arith.extui %eq3A_107 : i1 to i32
    %cond3A_109 = arith.constant 0 : i32
    %cond3A_110 = arith.cmpi ne, %convert_element_type3A_108, %cond3A_109 : i32
    scf.if %cond3A_110 {
      %dma_start3A_253 = arith.constant 0 : i32
      %dma_start3A_254 = arith.constant 0 : i32
      %dma_start3A_255 = tpu.memref_slice %arg8[%dma_start3A_253, %dma_start3A_254] : memref<84x128xi32, #tpu.memory_space<vmem>> -> memref<80x128xi32, #tpu.memory_space<vmem>>
      %dma_start3A_256 = arith.constant 0 : i32
      %dma_start3A_257 = tpu.memref_slice %arg3[%mul3A_44, %dma_start3A_256] : memref<2500x128xi32, #tpu.memory_space<hbm>> -> memref<80x128xi32, #tpu.memory_space<hbm>>
      %dma_start3A_258 = arith.constant 0 : i32
      %dma_start3A_259 = arith.constant 0 : i32
      %dma_start3A_260 = tpu.memref_slice %arg8[%dma_start3A_258, %dma_start3A_259] : memref<84x128xi32, #tpu.memory_space<vmem>> -> memref<80x128xi32, #tpu.memory_space<vmem>>
      %dma_start3A_261 = arith.constant 0 : i32
      %dma_start3A_262 = tpu.memref_slice %arg3[%mul3A_44, %dma_start3A_261] : memref<2500x128xi32, #tpu.memory_space<hbm>> -> memref<80x128xi32, #tpu.memory_space<hbm>>
      tpu.enqueue_dma source(%dma_start3A_262 : memref<80x128xi32, #tpu.memory_space<hbm>>) target(%dma_start3A_260 : memref<80x128xi32, #tpu.memory_space<vmem>>) target_semaphore(%arg18 : memref<!tpu.dma_semaphore, #tpu.memory_space<semaphore_mem>>)
      %dma_start3A_263 = arith.constant 0 : i32
      %dma_start3A_264 = arith.constant 0 : i32
      %dma_start3A_265 = tpu.memref_slice %arg9[%dma_start3A_263, %dma_start3A_264] : memref<84x128xi32, #tpu.memory_space<vmem>> -> memref<80x128xi32, #tpu.memory_space<vmem>>
      %dma_start3A_266 = arith.constant 0 : i32
      %dma_start3A_267 = tpu.memref_slice %arg4[%mul3A_44, %dma_start3A_266] : memref<2500x128xi32, #tpu.memory_space<hbm>> -> memref<80x128xi32, #tpu.memory_space<hbm>>
      %dma_start3A_268 = arith.constant 0 : i32
      %dma_start3A_269 = arith.constant 0 : i32
      %dma_start3A_270 = tpu.memref_slice %arg9[%dma_start3A_268, %dma_start3A_269] : memref<84x128xi32, #tpu.memory_space<vmem>> -> memref<80x128xi32, #tpu.memory_space<vmem>>
      %dma_start3A_271 = arith.constant 0 : i32
      %dma_start3A_272 = tpu.memref_slice %arg4[%mul3A_44, %dma_start3A_271] : memref<2500x128xi32, #tpu.memory_space<hbm>> -> memref<80x128xi32, #tpu.memory_space<hbm>>
      tpu.enqueue_dma source(%dma_start3A_272 : memref<80x128xi32, #tpu.memory_space<hbm>>) target(%dma_start3A_270 : memref<80x128xi32, #tpu.memory_space<vmem>>) target_semaphore(%arg19 : memref<!tpu.dma_semaphore, #tpu.memory_space<semaphore_mem>>)
    } else {
    }
    %eq3A_111 = arith.constant 84 : i32
    %eq3A_112 = arith.cmpi eq, %sub3A_102, %eq3A_111 : i32
    %convert_element_type3A_113 = arith.extui %eq3A_112 : i1 to i32
    %cond3A_114 = arith.constant 0 : i32
    %cond3A_115 = arith.cmpi ne, %convert_element_type3A_113, %cond3A_114 : i32
    scf.if %cond3A_115 {
      %dma_start3A_253 = arith.constant 0 : i32
      %dma_start3A_254 = arith.constant 0 : i32
      %dma_start3A_255 = tpu.memref_slice %arg8[%dma_start3A_253, %dma_start3A_254] : memref<84x128xi32, #tpu.memory_space<vmem>> -> memref<84x128xi32, #tpu.memory_space<vmem>>
      %dma_start3A_256 = arith.constant 0 : i32
      %dma_start3A_257 = tpu.memref_slice %arg3[%mul3A_44, %dma_start3A_256] : memref<2500x128xi32, #tpu.memory_space<hbm>> -> memref<84x128xi32, #tpu.memory_space<hbm>>
      %dma_start3A_258 = arith.constant 0 : i32
      %dma_start3A_259 = arith.constant 0 : i32
      %dma_start3A_260 = tpu.memref_slice %arg8[%dma_start3A_258, %dma_start3A_259] : memref<84x128xi32, #tpu.memory_space<vmem>> -> memref<84x128xi32, #tpu.memory_space<vmem>>
      %dma_start3A_261 = arith.constant 0 : i32
      %dma_start3A_262 = tpu.memref_slice %arg3[%mul3A_44, %dma_start3A_261] : memref<2500x128xi32, #tpu.memory_space<hbm>> -> memref<84x128xi32, #tpu.memory_space<hbm>>
      tpu.enqueue_dma source(%dma_start3A_262 : memref<84x128xi32, #tpu.memory_space<hbm>>) target(%dma_start3A_260 : memref<84x128xi32, #tpu.memory_space<vmem>>) target_semaphore(%arg18 : memref<!tpu.dma_semaphore, #tpu.memory_space<semaphore_mem>>)
      %dma_start3A_263 = arith.constant 0 : i32
      %dma_start3A_264 = arith.constant 0 : i32
      %dma_start3A_265 = tpu.memref_slice %arg9[%dma_start3A_263, %dma_start3A_264] : memref<84x128xi32, #tpu.memory_space<vmem>> -> memref<84x128xi32, #tpu.memory_space<vmem>>
      %dma_start3A_266 = arith.constant 0 : i32
      %dma_start3A_267 = tpu.memref_slice %arg4[%mul3A_44, %dma_start3A_266] : memref<2500x128xi32, #tpu.memory_space<hbm>> -> memref<84x128xi32, #tpu.memory_space<hbm>>
      %dma_start3A_268 = arith.constant 0 : i32
      %dma_start3A_269 = arith.constant 0 : i32
      %dma_start3A_270 = tpu.memref_slice %arg9[%dma_start3A_268, %dma_start3A_269] : memref<84x128xi32, #tpu.memory_space<vmem>> -> memref<84x128xi32, #tpu.memory_space<vmem>>
      %dma_start3A_271 = arith.constant 0 : i32
      %dma_start3A_272 = tpu.memref_slice %arg4[%mul3A_44, %dma_start3A_271] : memref<2500x128xi32, #tpu.memory_space<hbm>> -> memref<84x128xi32, #tpu.memory_space<hbm>>
      tpu.enqueue_dma source(%dma_start3A_272 : memref<84x128xi32, #tpu.memory_space<hbm>>) target(%dma_start3A_270 : memref<84x128xi32, #tpu.memory_space<vmem>>) target_semaphore(%arg19 : memref<!tpu.dma_semaphore, #tpu.memory_space<semaphore_mem>>)
    } else {
    }
    %mul3A_116 = arith.constant 640 : i32
    %mul3A_117 = arith.muli %arg1, %mul3A_116 : i32
    "tpu.region"() ({
      %run_scoped3A = tpu.sem_alloc : memref<!tpu.dma_semaphore, #tpu.memory_space<semaphore_mem>>
      %dma_start3A_253 = arith.constant 0 : i32
      %dma_start3A_254 = tpu.memref_slice %arg7[%mul3A_117, %dma_start3A_253] : memref<10240x64xf32, #tpu.memory_space<vmem_shared>> -> memref<640x64xf32, #tpu.memory_space<vmem_shared>>
      tpu.enqueue_dma source(%arg5 : memref<640x64xf32, #tpu.memory_space<hbm>>) target(%dma_start3A_254 : memref<640x64xf32, #tpu.memory_space<vmem_shared>>) target_semaphore(%run_scoped3A : memref<!tpu.dma_semaphore, #tpu.memory_space<semaphore_mem>>)
      %dma_wait3A_255 = arith.constant 0 : i32
      %dma_wait3A_256 = tpu.memref_slice %arg7[%mul3A_117, %dma_wait3A_255] : memref<10240x64xf32, #tpu.memory_space<vmem_shared>> -> memref<640x64xf32, #tpu.memory_space<vmem_shared>>
      tpu.wait_dma2 semaphore(%run_scoped3A : memref<!tpu.dma_semaphore, #tpu.memory_space<semaphore_mem>>) src(%arg5 : memref<640x64xf32, #tpu.memory_space<hbm>>) dst(%dma_wait3A_256 : memref<640x64xf32, #tpu.memory_space<vmem_shared>>)
      tpu.yield
    }) : () -> ()
    %eq3A_118 = arith.constant 72 : i32
    %eq3A_119 = arith.cmpi eq, %sub3A_102, %eq3A_118 : i32
    %convert_element_type3A_120 = arith.extui %eq3A_119 : i1 to i32
    %cond3A_121 = arith.constant 0 : i32
    %cond3A_122 = arith.cmpi ne, %convert_element_type3A_120, %cond3A_121 : i32
    scf.if %cond3A_122 {
      %dma_wait3A_253 = arith.constant 0 : i32
      %dma_wait3A_254 = arith.constant 0 : i32
      %dma_wait3A_255 = tpu.memref_slice %arg8[%dma_wait3A_253, %dma_wait3A_254] : memref<84x128xi32, #tpu.memory_space<vmem>> -> memref<72x128xi32, #tpu.memory_space<vmem>>
      %dma_wait3A_256 = arith.constant 0 : i32
      %dma_wait3A_257 = tpu.memref_slice %arg3[%mul3A_44, %dma_wait3A_256] : memref<2500x128xi32, #tpu.memory_space<hbm>> -> memref<72x128xi32, #tpu.memory_space<hbm>>
      %dma_wait3A_258 = arith.constant 0 : i32
      %dma_wait3A_259 = arith.constant 0 : i32
      %dma_wait3A_260 = tpu.memref_slice %arg8[%dma_wait3A_258, %dma_wait3A_259] : memref<84x128xi32, #tpu.memory_space<vmem>> -> memref<72x128xi32, #tpu.memory_space<vmem>>
      %dma_wait3A_261 = arith.constant 0 : i32
      %dma_wait3A_262 = tpu.memref_slice %arg3[%mul3A_44, %dma_wait3A_261] : memref<2500x128xi32, #tpu.memory_space<hbm>> -> memref<72x128xi32, #tpu.memory_space<hbm>>
      tpu.wait_dma2 semaphore(%arg18 : memref<!tpu.dma_semaphore, #tpu.memory_space<semaphore_mem>>) src(%dma_wait3A_262 : memref<72x128xi32, #tpu.memory_space<hbm>>) dst(%dma_wait3A_260 : memref<72x128xi32, #tpu.memory_space<vmem>>)
      %dma_wait3A_263 = arith.constant 0 : i32
      %dma_wait3A_264 = arith.constant 0 : i32
      %dma_wait3A_265 = tpu.memref_slice %arg9[%dma_wait3A_263, %dma_wait3A_264] : memref<84x128xi32, #tpu.memory_space<vmem>> -> memref<72x128xi32, #tpu.memory_space<vmem>>
      %dma_wait3A_266 = arith.constant 0 : i32
      %dma_wait3A_267 = tpu.memref_slice %arg4[%mul3A_44, %dma_wait3A_266] : memref<2500x128xi32, #tpu.memory_space<hbm>> -> memref<72x128xi32, #tpu.memory_space<hbm>>
      %dma_wait3A_268 = arith.constant 0 : i32
      %dma_wait3A_269 = arith.constant 0 : i32
      %dma_wait3A_270 = tpu.memref_slice %arg9[%dma_wait3A_268, %dma_wait3A_269] : memref<84x128xi32, #tpu.memory_space<vmem>> -> memref<72x128xi32, #tpu.memory_space<vmem>>
      %dma_wait3A_271 = arith.constant 0 : i32
      %dma_wait3A_272 = tpu.memref_slice %arg4[%mul3A_44, %dma_wait3A_271] : memref<2500x128xi32, #tpu.memory_space<hbm>> -> memref<72x128xi32, #tpu.memory_space<hbm>>
      tpu.wait_dma2 semaphore(%arg19 : memref<!tpu.dma_semaphore, #tpu.memory_space<semaphore_mem>>) src(%dma_wait3A_272 : memref<72x128xi32, #tpu.memory_space<hbm>>) dst(%dma_wait3A_270 : memref<72x128xi32, #tpu.memory_space<vmem>>)
    } else {
    }
    %eq3A_123 = arith.constant 80 : i32
    %eq3A_124 = arith.cmpi eq, %sub3A_102, %eq3A_123 : i32
    %convert_element_type3A_125 = arith.extui %eq3A_124 : i1 to i32
    %cond3A_126 = arith.constant 0 : i32
    %cond3A_127 = arith.cmpi ne, %convert_element_type3A_125, %cond3A_126 : i32
    scf.if %cond3A_127 {
      %dma_wait3A_253 = arith.constant 0 : i32
      %dma_wait3A_254 = arith.constant 0 : i32
      %dma_wait3A_255 = tpu.memref_slice %arg8[%dma_wait3A_253, %dma_wait3A_254] : memref<84x128xi32, #tpu.memory_space<vmem>> -> memref<80x128xi32, #tpu.memory_space<vmem>>
      %dma_wait3A_256 = arith.constant 0 : i32
      %dma_wait3A_257 = tpu.memref_slice %arg3[%mul3A_44, %dma_wait3A_256] : memref<2500x128xi32, #tpu.memory_space<hbm>> -> memref<80x128xi32, #tpu.memory_space<hbm>>
      %dma_wait3A_258 = arith.constant 0 : i32
      %dma_wait3A_259 = arith.constant 0 : i32
      %dma_wait3A_260 = tpu.memref_slice %arg8[%dma_wait3A_258, %dma_wait3A_259] : memref<84x128xi32, #tpu.memory_space<vmem>> -> memref<80x128xi32, #tpu.memory_space<vmem>>
      %dma_wait3A_261 = arith.constant 0 : i32
      %dma_wait3A_262 = tpu.memref_slice %arg3[%mul3A_44, %dma_wait3A_261] : memref<2500x128xi32, #tpu.memory_space<hbm>> -> memref<80x128xi32, #tpu.memory_space<hbm>>
      tpu.wait_dma2 semaphore(%arg18 : memref<!tpu.dma_semaphore, #tpu.memory_space<semaphore_mem>>) src(%dma_wait3A_262 : memref<80x128xi32, #tpu.memory_space<hbm>>) dst(%dma_wait3A_260 : memref<80x128xi32, #tpu.memory_space<vmem>>)
      %dma_wait3A_263 = arith.constant 0 : i32
      %dma_wait3A_264 = arith.constant 0 : i32
      %dma_wait3A_265 = tpu.memref_slice %arg9[%dma_wait3A_263, %dma_wait3A_264] : memref<84x128xi32, #tpu.memory_space<vmem>> -> memref<80x128xi32, #tpu.memory_space<vmem>>
      %dma_wait3A_266 = arith.constant 0 : i32
      %dma_wait3A_267 = tpu.memref_slice %arg4[%mul3A_44, %dma_wait3A_266] : memref<2500x128xi32, #tpu.memory_space<hbm>> -> memref<80x128xi32, #tpu.memory_space<hbm>>
      %dma_wait3A_268 = arith.constant 0 : i32
      %dma_wait3A_269 = arith.constant 0 : i32
      %dma_wait3A_270 = tpu.memref_slice %arg9[%dma_wait3A_268, %dma_wait3A_269] : memref<84x128xi32, #tpu.memory_space<vmem>> -> memref<80x128xi32, #tpu.memory_space<vmem>>
      %dma_wait3A_271 = arith.constant 0 : i32
      %dma_wait3A_272 = tpu.memref_slice %arg4[%mul3A_44, %dma_wait3A_271] : memref<2500x128xi32, #tpu.memory_space<hbm>> -> memref<80x128xi32, #tpu.memory_space<hbm>>
      tpu.wait_dma2 semaphore(%arg19 : memref<!tpu.dma_semaphore, #tpu.memory_space<semaphore_mem>>) src(%dma_wait3A_272 : memref<80x128xi32, #tpu.memory_space<hbm>>) dst(%dma_wait3A_270 : memref<80x128xi32, #tpu.memory_space<vmem>>)
    } else {
    }
    %eq3A_128 = arith.constant 84 : i32
    %eq3A_129 = arith.cmpi eq, %sub3A_102, %eq3A_128 : i32
    %convert_element_type3A_130 = arith.extui %eq3A_129 : i1 to i32
    %cond3A_131 = arith.constant 0 : i32
    %cond3A_132 = arith.cmpi ne, %convert_element_type3A_130, %cond3A_131 : i32
    scf.if %cond3A_132 {
      %dma_wait3A_253 = arith.constant 0 : i32
      %dma_wait3A_254 = arith.constant 0 : i32
      %dma_wait3A_255 = tpu.memref_slice %arg8[%dma_wait3A_253, %dma_wait3A_254] : memref<84x128xi32, #tpu.memory_space<vmem>> -> memref<84x128xi32, #tpu.memory_space<vmem>>
      %dma_wait3A_256 = arith.constant 0 : i32
      %dma_wait3A_257 = tpu.memref_slice %arg3[%mul3A_44, %dma_wait3A_256] : memref<2500x128xi32, #tpu.memory_space<hbm>> -> memref<84x128xi32, #tpu.memory_space<hbm>>
      %dma_wait3A_258 = arith.constant 0 : i32
      %dma_wait3A_259 = arith.constant 0 : i32
      %dma_wait3A_260 = tpu.memref_slice %arg8[%dma_wait3A_258, %dma_wait3A_259] : memref<84x128xi32, #tpu.memory_space<vmem>> -> memref<84x128xi32, #tpu.memory_space<vmem>>
      %dma_wait3A_261 = arith.constant 0 : i32
      %dma_wait3A_262 = tpu.memref_slice %arg3[%mul3A_44, %dma_wait3A_261] : memref<2500x128xi32, #tpu.memory_space<hbm>> -> memref<84x128xi32, #tpu.memory_space<hbm>>
      tpu.wait_dma2 semaphore(%arg18 : memref<!tpu.dma_semaphore, #tpu.memory_space<semaphore_mem>>) src(%dma_wait3A_262 : memref<84x128xi32, #tpu.memory_space<hbm>>) dst(%dma_wait3A_260 : memref<84x128xi32, #tpu.memory_space<vmem>>)
      %dma_wait3A_263 = arith.constant 0 : i32
      %dma_wait3A_264 = arith.constant 0 : i32
      %dma_wait3A_265 = tpu.memref_slice %arg9[%dma_wait3A_263, %dma_wait3A_264] : memref<84x128xi32, #tpu.memory_space<vmem>> -> memref<84x128xi32, #tpu.memory_space<vmem>>
      %dma_wait3A_266 = arith.constant 0 : i32
      %dma_wait3A_267 = tpu.memref_slice %arg4[%mul3A_44, %dma_wait3A_266] : memref<2500x128xi32, #tpu.memory_space<hbm>> -> memref<84x128xi32, #tpu.memory_space<hbm>>
      %dma_wait3A_268 = arith.constant 0 : i32
      %dma_wait3A_269 = arith.constant 0 : i32
      %dma_wait3A_270 = tpu.memref_slice %arg9[%dma_wait3A_268, %dma_wait3A_269] : memref<84x128xi32, #tpu.memory_space<vmem>> -> memref<84x128xi32, #tpu.memory_space<vmem>>
      %dma_wait3A_271 = arith.constant 0 : i32
      %dma_wait3A_272 = tpu.memref_slice %arg4[%mul3A_44, %dma_wait3A_271] : memref<2500x128xi32, #tpu.memory_space<hbm>> -> memref<84x128xi32, #tpu.memory_space<hbm>>
      tpu.wait_dma2 semaphore(%arg19 : memref<!tpu.dma_semaphore, #tpu.memory_space<semaphore_mem>>) src(%dma_wait3A_272 : memref<84x128xi32, #tpu.memory_space<hbm>>) dst(%dma_wait3A_270 : memref<84x128xi32, #tpu.memory_space<vmem>>)
    } else {
    }
    %barrier3A = arith.constant 0 : index
    tpu.barrier barrier_id(%barrier3A)
    %dma_start3A = arith.constant 0 : i32
    %dma_start3A_133 = arith.constant 0 : i32
    %dma_start3A_134 = tpu.memref_slice %arg8[%dma_start3A, %dma_start3A_133] : memref<84x128xi32, #tpu.memory_space<vmem>> -> memref<1x128xi32, #tpu.memory_space<vmem>>
    %dma_start3A_135 = tpu.memref_squeeze %dma_start3A_134 : memref<1x128xi32, #tpu.memory_space<vmem>> -> memref<128xi32, #tpu.memory_space<vmem>>
    %dma_start3A_136 = arith.constant 0 : i32
    %dma_start3A_137 = arith.constant 0 : i32
    %dma_start3A_138 = tpu.memref_slice %arg2[%dma_start3A_136, %dma_start3A_137] : memref<40000x64xf32, #tpu.memory_space<hbm>> -> memref<40000x64xf32, #tpu.memory_space<hbm>>
    tpu.enqueue_indirect_dma source(%dma_start3A_138 : memref<40000x64xf32, #tpu.memory_space<hbm>>) target(%arg10 : memref<128x64xf32, #tpu.memory_space<vmem>>) offsets(%dma_start3A_135 : memref<128xi32, #tpu.memory_space<vmem>>) semaphore(%arg18 : memref<!tpu.dma_semaphore, #tpu.memory_space<semaphore_mem>>)
    %dma_start3A_139 = arith.constant 1 : i32
    %dma_start3A_140 = arith.constant 0 : i32
    %dma_start3A_141 = tpu.memref_slice %arg8[%dma_start3A_139, %dma_start3A_140] : memref<84x128xi32, #tpu.memory_space<vmem>> -> memref<1x128xi32, #tpu.memory_space<vmem>>
    %dma_start3A_142 = tpu.memref_squeeze %dma_start3A_141 : memref<1x128xi32, #tpu.memory_space<vmem>> -> memref<128xi32, #tpu.memory_space<vmem>>
    %dma_start3A_143 = arith.constant 0 : i32
    %dma_start3A_144 = arith.constant 0 : i32
    %dma_start3A_145 = tpu.memref_slice %arg2[%dma_start3A_143, %dma_start3A_144] : memref<40000x64xf32, #tpu.memory_space<hbm>> -> memref<40000x64xf32, #tpu.memory_space<hbm>>
    tpu.enqueue_indirect_dma source(%dma_start3A_145 : memref<40000x64xf32, #tpu.memory_space<hbm>>) target(%arg11 : memref<128x64xf32, #tpu.memory_space<vmem>>) offsets(%dma_start3A_142 : memref<128xi32, #tpu.memory_space<vmem>>) semaphore(%arg19 : memref<!tpu.dma_semaphore, #tpu.memory_space<semaphore_mem>>)
    %dma_start3A_146 = arith.constant 2 : i32
    %dma_start3A_147 = arith.constant 0 : i32
    %dma_start3A_148 = tpu.memref_slice %arg8[%dma_start3A_146, %dma_start3A_147] : memref<84x128xi32, #tpu.memory_space<vmem>> -> memref<1x128xi32, #tpu.memory_space<vmem>>
    %dma_start3A_149 = tpu.memref_squeeze %dma_start3A_148 : memref<1x128xi32, #tpu.memory_space<vmem>> -> memref<128xi32, #tpu.memory_space<vmem>>
    %dma_start3A_150 = arith.constant 0 : i32
    %dma_start3A_151 = arith.constant 0 : i32
    %dma_start3A_152 = tpu.memref_slice %arg2[%dma_start3A_150, %dma_start3A_151] : memref<40000x64xf32, #tpu.memory_space<hbm>> -> memref<40000x64xf32, #tpu.memory_space<hbm>>
    tpu.enqueue_indirect_dma source(%dma_start3A_152 : memref<40000x64xf32, #tpu.memory_space<hbm>>) target(%arg12 : memref<128x64xf32, #tpu.memory_space<vmem>>) offsets(%dma_start3A_149 : memref<128xi32, #tpu.memory_space<vmem>>) semaphore(%arg20 : memref<!tpu.dma_semaphore, #tpu.memory_space<semaphore_mem>>)
    %dma_start3A_153 = arith.constant 3 : i32
    %dma_start3A_154 = arith.constant 0 : i32
    %dma_start3A_155 = tpu.memref_slice %arg8[%dma_start3A_153, %dma_start3A_154] : memref<84x128xi32, #tpu.memory_space<vmem>> -> memref<1x128xi32, #tpu.memory_space<vmem>>
    %dma_start3A_156 = tpu.memref_squeeze %dma_start3A_155 : memref<1x128xi32, #tpu.memory_space<vmem>> -> memref<128xi32, #tpu.memory_space<vmem>>
    %dma_start3A_157 = arith.constant 0 : i32
    %dma_start3A_158 = arith.constant 0 : i32
    %dma_start3A_159 = tpu.memref_slice %arg2[%dma_start3A_157, %dma_start3A_158] : memref<40000x64xf32, #tpu.memory_space<hbm>> -> memref<40000x64xf32, #tpu.memory_space<hbm>>
    tpu.enqueue_indirect_dma source(%dma_start3A_159 : memref<40000x64xf32, #tpu.memory_space<hbm>>) target(%arg13 : memref<128x64xf32, #tpu.memory_space<vmem>>) offsets(%dma_start3A_156 : memref<128xi32, #tpu.memory_space<vmem>>) semaphore(%arg21 : memref<!tpu.dma_semaphore, #tpu.memory_space<semaphore_mem>>)
    %jit3A_160 = arith.constant 4 : i32
    %div3A_161 = arith.divsi %sub3A_102, %jit3A_160 : i32
    %sign3A_162 = arith.constant 0 : i32
    %sign3A_163 = arith.cmpi sgt, %sub3A_102, %sign3A_162 : i32
    %sign3A_164 = arith.extui %sign3A_163 : i1 to i32
    %sign3A_165 = arith.constant 0 : i32
    %sign3A_166 = arith.cmpi slt, %sub3A_102, %sign3A_165 : i32
    %sign3A_167 = arith.extui %sign3A_166 : i1 to i32
    %sign3A_168 = arith.subi %sign3A_164, %sign3A_167 : i32
    %sign3A_169 = arith.constant 0 : i32
    %sign3A_170 = arith.cmpi sgt, %jit3A_160, %sign3A_169 : i32
    %sign3A_171 = arith.extui %sign3A_170 : i1 to i32
    %sign3A_172 = arith.constant 0 : i32
    %sign3A_173 = arith.cmpi slt, %jit3A_160, %sign3A_172 : i32
    %sign3A_174 = arith.extui %sign3A_173 : i1 to i32
    %sign3A_175 = arith.subi %sign3A_171, %sign3A_174 : i32
    %ne3A_176 = arith.cmpi ne, %sign3A_168, %sign3A_175 : i32
    %rem3A_177 = arith.remsi %sub3A_102, %jit3A_160 : i32
    %ne3A_178 = arith.constant 0 : i32
    %ne3A_179 = arith.cmpi ne, %rem3A_177, %ne3A_178 : i32
    %and3A_180 = arith.andi %ne3A_176, %ne3A_179 : i1
    %sub3A_181 = arith.constant 1 : i32
    %sub3A_182 = arith.subi %div3A_161, %sub3A_181 : i32
    %select_n3A_183 = arith.select %and3A_180, %sub3A_182, %div3A_161 : i32
    %while3A = arith.constant 0 : i32
    %while3A_184 = arith.constant 0 : i32
    %while3A_185 = arith.subi %select_n3A_183, %while3A : i32
    %while3A_186 = arith.addi %while3A, %while3A_185 : i32
    %while3A_187 = arith.constant 1 : i32
    %while3A_188 = arith.divsi %while3A_185, %while3A_187 : i32
    %while3A_189 = arith.muli %while3A_188, %while3A_187 : i32
    %while3A_190 = arith.addi %while3A, %while3A_189 : i32
    %while3A_191 = arith.constant 1 : i32
    %while3A_192 = scf.for %while3A_253 = %while3A to %while3A_190 step %while3A_191 iter_args(%while3A_254 = %while3A_184) -> (i32)  : i32 {
      %mul3A_255 = arith.constant 4 : i32
      %mul3A_256 = arith.muli %mul3A_255, %while3A_253 : i32
      %jit3A_257 = arith.constant 2 : i32
      %eq3A_258 = arith.constant 0 : i32
      %eq3A_259 = arith.cmpi eq, %jit3A_257, %eq3A_258 : i32
      %jit3A_260 = arith.constant 1 : i32
      %select_n3A_261 = arith.select %eq3A_259, %jit3A_260, %jit3A_257 : i32
      %rem3A_262 = arith.remsi %while3A_253, %select_n3A_261 : i32
      %ne3A_263 = arith.constant 0 : i32
      %ne3A_264 = arith.cmpi ne, %rem3A_262, %ne3A_263 : i32
      %lt3A = arith.constant 0 : i32
      %lt3A_265 = arith.cmpi slt, %rem3A_262, %lt3A : i32
      %lt3A_266 = arith.constant 0 : i32
      %lt3A_267 = arith.cmpi slt, %select_n3A_261, %lt3A_266 : i32
      %ne3A_268 = arith.xori %lt3A_265, %lt3A_267 : i1
      %and3A_269 = arith.andi %ne3A_268, %ne3A_264 : i1
      %add3A_270 = arith.addi %rem3A_262, %select_n3A_261 : i32
      %select_n3A_271 = arith.select %and3A_269, %add3A_270, %rem3A_262 : i32
      %eq3A_272 = arith.constant 0 : i32
      %eq3A_273 = arith.cmpi eq, %select_n3A_271, %eq3A_272 : i32
      %convert_element_type3A_274 = arith.extui %eq3A_273 : i1 to i32
      %cond3A_275 = arith.constant 0 : i32
      %cond3A_276 = arith.cmpi ne, %convert_element_type3A_274, %cond3A_275 : i32
      scf.if %cond3A_276 {
        %add3A_282 = arith.constant 0 : i32
        %add3A_283 = arith.addi %mul3A_256, %add3A_282 : i32
        %dma_wait3A_284 = arith.constant 0 : i32
        %dma_wait3A_285 = tpu.memref_slice %arg8[%add3A_283, %dma_wait3A_284] : memref<84x128xi32, #tpu.memory_space<vmem>> -> memref<1x128xi32, #tpu.memory_space<vmem>>
        %dma_wait3A_286 = tpu.memref_squeeze %dma_wait3A_285 : memref<1x128xi32, #tpu.memory_space<vmem>> -> memref<128xi32, #tpu.memory_space<vmem>>
        %dma_wait3A_287 = arith.constant 0 : i32
        %dma_wait3A_288 = arith.constant 0 : i32
        %dma_wait3A_289 = tpu.memref_slice %arg2[%dma_wait3A_287, %dma_wait3A_288] : memref<40000x64xf32, #tpu.memory_space<hbm>> -> memref<40000x64xf32, #tpu.memory_space<hbm>>
        tpu.wait_indirect_dma semaphore(%arg18 : memref<!tpu.dma_semaphore, #tpu.memory_space<semaphore_mem>>) src(%dma_wait3A_289 : memref<40000x64xf32, #tpu.memory_space<hbm>>) dst(%arg10 : memref<128x64xf32, #tpu.memory_space<vmem>>)
        %add3A_290 = arith.constant 0 : i32
        %add3A_291 = arith.addi %mul3A_256, %add3A_290 : i32
        %dma_start3A_292 = arith.constant 0 : i32
        %dma_start3A_293 = tpu.memref_slice %arg9[%add3A_291, %dma_start3A_292] : memref<84x128xi32, #tpu.memory_space<vmem>> -> memref<1x128xi32, #tpu.memory_space<vmem>>
        %dma_start3A_294 = tpu.memref_squeeze %dma_start3A_293 : memref<1x128xi32, #tpu.memory_space<vmem>> -> memref<128xi32, #tpu.memory_space<vmem>>
        %dma_start3A_295 = arith.constant 0 : i32
        %dma_start3A_296 = arith.constant 0 : i32
        %dma_start3A_297 = tpu.memref_slice %arg7[%dma_start3A_295, %dma_start3A_296] : memref<10240x64xf32, #tpu.memory_space<vmem_shared>> -> memref<10240x64xf32, #tpu.memory_space<vmem_shared>>
        tpu.enqueue_indirect_dma source(%arg10 : memref<128x64xf32, #tpu.memory_space<vmem>>) target(%dma_start3A_297 : memref<10240x64xf32, #tpu.memory_space<vmem_shared>>) offsets(%dma_start3A_294 : memref<128xi32, #tpu.memory_space<vmem>>) semaphore(%arg26 : memref<!tpu.dma_semaphore, #tpu.memory_space<semaphore_mem>>) {add = true}
        %add3A_298 = arith.constant 1 : i32
        %add3A_299 = arith.addi %mul3A_256, %add3A_298 : i32
        %dma_wait3A_300 = arith.constant 0 : i32
        %dma_wait3A_301 = tpu.memref_slice %arg8[%add3A_299, %dma_wait3A_300] : memref<84x128xi32, #tpu.memory_space<vmem>> -> memref<1x128xi32, #tpu.memory_space<vmem>>
        %dma_wait3A_302 = tpu.memref_squeeze %dma_wait3A_301 : memref<1x128xi32, #tpu.memory_space<vmem>> -> memref<128xi32, #tpu.memory_space<vmem>>
        %dma_wait3A_303 = arith.constant 0 : i32
        %dma_wait3A_304 = arith.constant 0 : i32
        %dma_wait3A_305 = tpu.memref_slice %arg2[%dma_wait3A_303, %dma_wait3A_304] : memref<40000x64xf32, #tpu.memory_space<hbm>> -> memref<40000x64xf32, #tpu.memory_space<hbm>>
        tpu.wait_indirect_dma semaphore(%arg19 : memref<!tpu.dma_semaphore, #tpu.memory_space<semaphore_mem>>) src(%dma_wait3A_305 : memref<40000x64xf32, #tpu.memory_space<hbm>>) dst(%arg11 : memref<128x64xf32, #tpu.memory_space<vmem>>)
        %add3A_306 = arith.constant 1 : i32
        %add3A_307 = arith.addi %mul3A_256, %add3A_306 : i32
        %dma_start3A_308 = arith.constant 0 : i32
        %dma_start3A_309 = tpu.memref_slice %arg9[%add3A_307, %dma_start3A_308] : memref<84x128xi32, #tpu.memory_space<vmem>> -> memref<1x128xi32, #tpu.memory_space<vmem>>
        %dma_start3A_310 = tpu.memref_squeeze %dma_start3A_309 : memref<1x128xi32, #tpu.memory_space<vmem>> -> memref<128xi32, #tpu.memory_space<vmem>>
        %dma_start3A_311 = arith.constant 0 : i32
        %dma_start3A_312 = arith.constant 0 : i32
        %dma_start3A_313 = tpu.memref_slice %arg7[%dma_start3A_311, %dma_start3A_312] : memref<10240x64xf32, #tpu.memory_space<vmem_shared>> -> memref<10240x64xf32, #tpu.memory_space<vmem_shared>>
        tpu.enqueue_indirect_dma source(%arg11 : memref<128x64xf32, #tpu.memory_space<vmem>>) target(%dma_start3A_313 : memref<10240x64xf32, #tpu.memory_space<vmem_shared>>) offsets(%dma_start3A_310 : memref<128xi32, #tpu.memory_space<vmem>>) semaphore(%arg27 : memref<!tpu.dma_semaphore, #tpu.memory_space<semaphore_mem>>) {add = true}
        %add3A_314 = arith.constant 2 : i32
        %add3A_315 = arith.addi %mul3A_256, %add3A_314 : i32
        %dma_wait3A_316 = arith.constant 0 : i32
        %dma_wait3A_317 = tpu.memref_slice %arg8[%add3A_315, %dma_wait3A_316] : memref<84x128xi32, #tpu.memory_space<vmem>> -> memref<1x128xi32, #tpu.memory_space<vmem>>
        %dma_wait3A_318 = tpu.memref_squeeze %dma_wait3A_317 : memref<1x128xi32, #tpu.memory_space<vmem>> -> memref<128xi32, #tpu.memory_space<vmem>>
        %dma_wait3A_319 = arith.constant 0 : i32
        %dma_wait3A_320 = arith.constant 0 : i32
        %dma_wait3A_321 = tpu.memref_slice %arg2[%dma_wait3A_319, %dma_wait3A_320] : memref<40000x64xf32, #tpu.memory_space<hbm>> -> memref<40000x64xf32, #tpu.memory_space<hbm>>
        tpu.wait_indirect_dma semaphore(%arg20 : memref<!tpu.dma_semaphore, #tpu.memory_space<semaphore_mem>>) src(%dma_wait3A_321 : memref<40000x64xf32, #tpu.memory_space<hbm>>) dst(%arg12 : memref<128x64xf32, #tpu.memory_space<vmem>>)
        %add3A_322 = arith.constant 2 : i32
        %add3A_323 = arith.addi %mul3A_256, %add3A_322 : i32
        %dma_start3A_324 = arith.constant 0 : i32
        %dma_start3A_325 = tpu.memref_slice %arg9[%add3A_323, %dma_start3A_324] : memref<84x128xi32, #tpu.memory_space<vmem>> -> memref<1x128xi32, #tpu.memory_space<vmem>>
        %dma_start3A_326 = tpu.memref_squeeze %dma_start3A_325 : memref<1x128xi32, #tpu.memory_space<vmem>> -> memref<128xi32, #tpu.memory_space<vmem>>
        %dma_start3A_327 = arith.constant 0 : i32
        %dma_start3A_328 = arith.constant 0 : i32
        %dma_start3A_329 = tpu.memref_slice %arg7[%dma_start3A_327, %dma_start3A_328] : memref<10240x64xf32, #tpu.memory_space<vmem_shared>> -> memref<10240x64xf32, #tpu.memory_space<vmem_shared>>
        tpu.enqueue_indirect_dma source(%arg12 : memref<128x64xf32, #tpu.memory_space<vmem>>) target(%dma_start3A_329 : memref<10240x64xf32, #tpu.memory_space<vmem_shared>>) offsets(%dma_start3A_326 : memref<128xi32, #tpu.memory_space<vmem>>) semaphore(%arg28 : memref<!tpu.dma_semaphore, #tpu.memory_space<semaphore_mem>>) {add = true}
        %add3A_330 = arith.constant 3 : i32
        %add3A_331 = arith.addi %mul3A_256, %add3A_330 : i32
        %dma_wait3A_332 = arith.constant 0 : i32
        %dma_wait3A_333 = tpu.memref_slice %arg8[%add3A_331, %dma_wait3A_332] : memref<84x128xi32, #tpu.memory_space<vmem>> -> memref<1x128xi32, #tpu.memory_space<vmem>>
        %dma_wait3A_334 = tpu.memref_squeeze %dma_wait3A_333 : memref<1x128xi32, #tpu.memory_space<vmem>> -> memref<128xi32, #tpu.memory_space<vmem>>
        %dma_wait3A_335 = arith.constant 0 : i32
        %dma_wait3A_336 = arith.constant 0 : i32
        %dma_wait3A_337 = tpu.memref_slice %arg2[%dma_wait3A_335, %dma_wait3A_336] : memref<40000x64xf32, #tpu.memory_space<hbm>> -> memref<40000x64xf32, #tpu.memory_space<hbm>>
        tpu.wait_indirect_dma semaphore(%arg21 : memref<!tpu.dma_semaphore, #tpu.memory_space<semaphore_mem>>) src(%dma_wait3A_337 : memref<40000x64xf32, #tpu.memory_space<hbm>>) dst(%arg13 : memref<128x64xf32, #tpu.memory_space<vmem>>)
        %add3A_338 = arith.constant 3 : i32
        %add3A_339 = arith.addi %mul3A_256, %add3A_338 : i32
        %dma_start3A_340 = arith.constant 0 : i32
        %dma_start3A_341 = tpu.memref_slice %arg9[%add3A_339, %dma_start3A_340] : memref<84x128xi32, #tpu.memory_space<vmem>> -> memref<1x128xi32, #tpu.memory_space<vmem>>
        %dma_start3A_342 = tpu.memref_squeeze %dma_start3A_341 : memref<1x128xi32, #tpu.memory_space<vmem>> -> memref<128xi32, #tpu.memory_space<vmem>>
        %dma_start3A_343 = arith.constant 0 : i32
        %dma_start3A_344 = arith.constant 0 : i32
        %dma_start3A_345 = tpu.memref_slice %arg7[%dma_start3A_343, %dma_start3A_344] : memref<10240x64xf32, #tpu.memory_space<vmem_shared>> -> memref<10240x64xf32, #tpu.memory_space<vmem_shared>>
        tpu.enqueue_indirect_dma source(%arg13 : memref<128x64xf32, #tpu.memory_space<vmem>>) target(%dma_start3A_345 : memref<10240x64xf32, #tpu.memory_space<vmem_shared>>) offsets(%dma_start3A_342 : memref<128xi32, #tpu.memory_space<vmem>>) semaphore(%arg29 : memref<!tpu.dma_semaphore, #tpu.memory_space<semaphore_mem>>) {add = true}
        %add3A_346 = arith.constant 4 : i32
        %add3A_347 = arith.addi %mul3A_256, %add3A_346 : i32
        %add3A_348 = arith.constant 0 : i32
        %add3A_349 = arith.addi %add3A_347, %add3A_348 : i32
        %lt3A_350 = arith.cmpi slt, %add3A_349, %sub3A_102 : i32
        %convert_element_type3A_351 = arith.extui %lt3A_350 : i1 to i32
        %cond3A_352 = arith.constant 0 : i32
        %cond3A_353 = arith.cmpi ne, %convert_element_type3A_351, %cond3A_352 : i32
        scf.if %cond3A_353 {
          %gt3A = arith.constant 0 : i32
          %gt3A_378 = arith.cmpi sgt, %while3A_253, %gt3A : i32
          %convert_element_type3A_379 = arith.extui %gt3A_378 : i1 to i32
          %cond3A_380 = arith.constant 0 : i32
          %cond3A_381 = arith.cmpi ne, %convert_element_type3A_379, %cond3A_380 : i32
          scf.if %cond3A_381 {
            %dma_wait3A_388 = arith.constant 0 : i32
            %dma_wait3A_389 = arith.constant 0 : i32
            %dma_wait3A_390 = tpu.memref_slice %arg9[%dma_wait3A_388, %dma_wait3A_389] : memref<84x128xi32, #tpu.memory_space<vmem>> -> memref<1x128xi32, #tpu.memory_space<vmem>>
            %dma_wait3A_391 = tpu.memref_squeeze %dma_wait3A_390 : memref<1x128xi32, #tpu.memory_space<vmem>> -> memref<128xi32, #tpu.memory_space<vmem>>
            %dma_wait3A_392 = arith.constant 0 : i32
            %dma_wait3A_393 = arith.constant 0 : i32
            %dma_wait3A_394 = tpu.memref_slice %arg7[%dma_wait3A_392, %dma_wait3A_393] : memref<10240x64xf32, #tpu.memory_space<vmem_shared>> -> memref<10240x64xf32, #tpu.memory_space<vmem_shared>>
            tpu.wait_indirect_dma semaphore(%arg30 : memref<!tpu.dma_semaphore, #tpu.memory_space<semaphore_mem>>) src(%arg14 : memref<128x64xf32, #tpu.memory_space<vmem>>) dst(%dma_wait3A_394 : memref<10240x64xf32, #tpu.memory_space<vmem_shared>>)
          } else {
          }
          %dma_start3A_382 = arith.constant 0 : i32
          %dma_start3A_383 = tpu.memref_slice %arg8[%add3A_349, %dma_start3A_382] : memref<84x128xi32, #tpu.memory_space<vmem>> -> memref<1x128xi32, #tpu.memory_space<vmem>>
          %dma_start3A_384 = tpu.memref_squeeze %dma_start3A_383 : memref<1x128xi32, #tpu.memory_space<vmem>> -> memref<128xi32, #tpu.memory_space<vmem>>
          %dma_start3A_385 = arith.constant 0 : i32
          %dma_start3A_386 = arith.constant 0 : i32
          %dma_start3A_387 = tpu.memref_slice %arg2[%dma_start3A_385, %dma_start3A_386] : memref<40000x64xf32, #tpu.memory_space<hbm>> -> memref<40000x64xf32, #tpu.memory_space<hbm>>
          tpu.enqueue_indirect_dma source(%dma_start3A_387 : memref<40000x64xf32, #tpu.memory_space<hbm>>) target(%arg14 : memref<128x64xf32, #tpu.memory_space<vmem>>) offsets(%dma_start3A_384 : memref<128xi32, #tpu.memory_space<vmem>>) semaphore(%arg22 : memref<!tpu.dma_semaphore, #tpu.memory_space<semaphore_mem>>)
        } else {
        }
        %add3A_354 = arith.constant 4 : i32
        %add3A_355 = arith.addi %mul3A_256, %add3A_354 : i32
        %add3A_356 = arith.constant 1 : i32
        %add3A_357 = arith.addi %add3A_355, %add3A_356 : i32
        %lt3A_358 = arith.cmpi slt, %add3A_357, %sub3A_102 : i32
        %convert_element_type3A_359 = arith.extui %lt3A_358 : i1 to i32
        %cond3A_360 = arith.constant 0 : i32
        %cond3A_361 = arith.cmpi ne, %convert_element_type3A_359, %cond3A_360 : i32
        scf.if %cond3A_361 {
          %gt3A = arith.constant 0 : i32
          %gt3A_378 = arith.cmpi sgt, %while3A_253, %gt3A : i32
          %convert_element_type3A_379 = arith.extui %gt3A_378 : i1 to i32
          %cond3A_380 = arith.constant 0 : i32
          %cond3A_381 = arith.cmpi ne, %convert_element_type3A_379, %cond3A_380 : i32
          scf.if %cond3A_381 {
            %dma_wait3A_388 = arith.constant 0 : i32
            %dma_wait3A_389 = arith.constant 0 : i32
            %dma_wait3A_390 = tpu.memref_slice %arg9[%dma_wait3A_388, %dma_wait3A_389] : memref<84x128xi32, #tpu.memory_space<vmem>> -> memref<1x128xi32, #tpu.memory_space<vmem>>
            %dma_wait3A_391 = tpu.memref_squeeze %dma_wait3A_390 : memref<1x128xi32, #tpu.memory_space<vmem>> -> memref<128xi32, #tpu.memory_space<vmem>>
            %dma_wait3A_392 = arith.constant 0 : i32
            %dma_wait3A_393 = arith.constant 0 : i32
            %dma_wait3A_394 = tpu.memref_slice %arg7[%dma_wait3A_392, %dma_wait3A_393] : memref<10240x64xf32, #tpu.memory_space<vmem_shared>> -> memref<10240x64xf32, #tpu.memory_space<vmem_shared>>
            tpu.wait_indirect_dma semaphore(%arg31 : memref<!tpu.dma_semaphore, #tpu.memory_space<semaphore_mem>>) src(%arg15 : memref<128x64xf32, #tpu.memory_space<vmem>>) dst(%dma_wait3A_394 : memref<10240x64xf32, #tpu.memory_space<vmem_shared>>)
          } else {
          }
          %dma_start3A_382 = arith.constant 0 : i32
          %dma_start3A_383 = tpu.memref_slice %arg8[%add3A_357, %dma_start3A_382] : memref<84x128xi32, #tpu.memory_space<vmem>> -> memref<1x128xi32, #tpu.memory_space<vmem>>
          %dma_start3A_384 = tpu.memref_squeeze %dma_start3A_383 : memref<1x128xi32, #tpu.memory_space<vmem>> -> memref<128xi32, #tpu.memory_space<vmem>>
          %dma_start3A_385 = arith.constant 0 : i32
          %dma_start3A_386 = arith.constant 0 : i32
          %dma_start3A_387 = tpu.memref_slice %arg2[%dma_start3A_385, %dma_start3A_386] : memref<40000x64xf32, #tpu.memory_space<hbm>> -> memref<40000x64xf32, #tpu.memory_space<hbm>>
          tpu.enqueue_indirect_dma source(%dma_start3A_387 : memref<40000x64xf32, #tpu.memory_space<hbm>>) target(%arg15 : memref<128x64xf32, #tpu.memory_space<vmem>>) offsets(%dma_start3A_384 : memref<128xi32, #tpu.memory_space<vmem>>) semaphore(%arg23 : memref<!tpu.dma_semaphore, #tpu.memory_space<semaphore_mem>>)
        } else {
        }
        %add3A_362 = arith.constant 4 : i32
        %add3A_363 = arith.addi %mul3A_256, %add3A_362 : i32
        %add3A_364 = arith.constant 2 : i32
        %add3A_365 = arith.addi %add3A_363, %add3A_364 : i32
        %lt3A_366 = arith.cmpi slt, %add3A_365, %sub3A_102 : i32
        %convert_element_type3A_367 = arith.extui %lt3A_366 : i1 to i32
        %cond3A_368 = arith.constant 0 : i32
        %cond3A_369 = arith.cmpi ne, %convert_element_type3A_367, %cond3A_368 : i32
        scf.if %cond3A_369 {
          %gt3A = arith.constant 0 : i32
          %gt3A_378 = arith.cmpi sgt, %while3A_253, %gt3A : i32
          %convert_element_type3A_379 = arith.extui %gt3A_378 : i1 to i32
          %cond3A_380 = arith.constant 0 : i32
          %cond3A_381 = arith.cmpi ne, %convert_element_type3A_379, %cond3A_380 : i32
          scf.if %cond3A_381 {
            %dma_wait3A_388 = arith.constant 0 : i32
            %dma_wait3A_389 = arith.constant 0 : i32
            %dma_wait3A_390 = tpu.memref_slice %arg9[%dma_wait3A_388, %dma_wait3A_389] : memref<84x128xi32, #tpu.memory_space<vmem>> -> memref<1x128xi32, #tpu.memory_space<vmem>>
            %dma_wait3A_391 = tpu.memref_squeeze %dma_wait3A_390 : memref<1x128xi32, #tpu.memory_space<vmem>> -> memref<128xi32, #tpu.memory_space<vmem>>
            %dma_wait3A_392 = arith.constant 0 : i32
            %dma_wait3A_393 = arith.constant 0 : i32
            %dma_wait3A_394 = tpu.memref_slice %arg7[%dma_wait3A_392, %dma_wait3A_393] : memref<10240x64xf32, #tpu.memory_space<vmem_shared>> -> memref<10240x64xf32, #tpu.memory_space<vmem_shared>>
            tpu.wait_indirect_dma semaphore(%arg32 : memref<!tpu.dma_semaphore, #tpu.memory_space<semaphore_mem>>) src(%arg16 : memref<128x64xf32, #tpu.memory_space<vmem>>) dst(%dma_wait3A_394 : memref<10240x64xf32, #tpu.memory_space<vmem_shared>>)
          } else {
          }
          %dma_start3A_382 = arith.constant 0 : i32
          %dma_start3A_383 = tpu.memref_slice %arg8[%add3A_365, %dma_start3A_382] : memref<84x128xi32, #tpu.memory_space<vmem>> -> memref<1x128xi32, #tpu.memory_space<vmem>>
          %dma_start3A_384 = tpu.memref_squeeze %dma_start3A_383 : memref<1x128xi32, #tpu.memory_space<vmem>> -> memref<128xi32, #tpu.memory_space<vmem>>
          %dma_start3A_385 = arith.constant 0 : i32
          %dma_start3A_386 = arith.constant 0 : i32
          %dma_start3A_387 = tpu.memref_slice %arg2[%dma_start3A_385, %dma_start3A_386] : memref<40000x64xf32, #tpu.memory_space<hbm>> -> memref<40000x64xf32, #tpu.memory_space<hbm>>
          tpu.enqueue_indirect_dma source(%dma_start3A_387 : memref<40000x64xf32, #tpu.memory_space<hbm>>) target(%arg16 : memref<128x64xf32, #tpu.memory_space<vmem>>) offsets(%dma_start3A_384 : memref<128xi32, #tpu.memory_space<vmem>>) semaphore(%arg24 : memref<!tpu.dma_semaphore, #tpu.memory_space<semaphore_mem>>)
        } else {
        }
        %add3A_370 = arith.constant 4 : i32
        %add3A_371 = arith.addi %mul3A_256, %add3A_370 : i32
        %add3A_372 = arith.constant 3 : i32
        %add3A_373 = arith.addi %add3A_371, %add3A_372 : i32
        %lt3A_374 = arith.cmpi slt, %add3A_373, %sub3A_102 : i32
        %convert_element_type3A_375 = arith.extui %lt3A_374 : i1 to i32
        %cond3A_376 = arith.constant 0 : i32
        %cond3A_377 = arith.cmpi ne, %convert_element_type3A_375, %cond3A_376 : i32
        scf.if %cond3A_377 {
          %gt3A = arith.constant 0 : i32
          %gt3A_378 = arith.cmpi sgt, %while3A_253, %gt3A : i32
          %convert_element_type3A_379 = arith.extui %gt3A_378 : i1 to i32
          %cond3A_380 = arith.constant 0 : i32
          %cond3A_381 = arith.cmpi ne, %convert_element_type3A_379, %cond3A_380 : i32
          scf.if %cond3A_381 {
            %dma_wait3A_388 = arith.constant 0 : i32
            %dma_wait3A_389 = arith.constant 0 : i32
            %dma_wait3A_390 = tpu.memref_slice %arg9[%dma_wait3A_388, %dma_wait3A_389] : memref<84x128xi32, #tpu.memory_space<vmem>> -> memref<1x128xi32, #tpu.memory_space<vmem>>
            %dma_wait3A_391 = tpu.memref_squeeze %dma_wait3A_390 : memref<1x128xi32, #tpu.memory_space<vmem>> -> memref<128xi32, #tpu.memory_space<vmem>>
            %dma_wait3A_392 = arith.constant 0 : i32
            %dma_wait3A_393 = arith.constant 0 : i32
            %dma_wait3A_394 = tpu.memref_slice %arg7[%dma_wait3A_392, %dma_wait3A_393] : memref<10240x64xf32, #tpu.memory_space<vmem_shared>> -> memref<10240x64xf32, #tpu.memory_space<vmem_shared>>
            tpu.wait_indirect_dma semaphore(%arg33 : memref<!tpu.dma_semaphore, #tpu.memory_space<semaphore_mem>>) src(%arg17 : memref<128x64xf32, #tpu.memory_space<vmem>>) dst(%dma_wait3A_394 : memref<10240x64xf32, #tpu.memory_space<vmem_shared>>)
          } else {
          }
          %dma_start3A_382 = arith.constant 0 : i32
          %dma_start3A_383 = tpu.memref_slice %arg8[%add3A_373, %dma_start3A_382] : memref<84x128xi32, #tpu.memory_space<vmem>> -> memref<1x128xi32, #tpu.memory_space<vmem>>
          %dma_start3A_384 = tpu.memref_squeeze %dma_start3A_383 : memref<1x128xi32, #tpu.memory_space<vmem>> -> memref<128xi32, #tpu.memory_space<vmem>>
          %dma_start3A_385 = arith.constant 0 : i32
          %dma_start3A_386 = arith.constant 0 : i32
          %dma_start3A_387 = tpu.memref_slice %arg2[%dma_start3A_385, %dma_start3A_386] : memref<40000x64xf32, #tpu.memory_space<hbm>> -> memref<40000x64xf32, #tpu.memory_space<hbm>>
          tpu.enqueue_indirect_dma source(%dma_start3A_387 : memref<40000x64xf32, #tpu.memory_space<hbm>>) target(%arg17 : memref<128x64xf32, #tpu.memory_space<vmem>>) offsets(%dma_start3A_384 : memref<128xi32, #tpu.memory_space<vmem>>) semaphore(%arg25 : memref<!tpu.dma_semaphore, #tpu.memory_space<semaphore_mem>>)
        } else {
        }
      } else {
      }
      %not3A = arith.constant true
      %not3A_277 = arith.xori %eq3A_273, %not3A : i1
      %convert_element_type3A_278 = arith.extui %not3A_277 : i1 to i32
      %cond3A_279 = arith.constant 0 : i32
      %cond3A_280 = arith.cmpi ne, %convert_element_type3A_278, %cond3A_279 : i32
      scf.if %cond3A_280 {
        %add3A_282 = arith.constant 0 : i32
        %add3A_283 = arith.addi %mul3A_256, %add3A_282 : i32
        %dma_wait3A_284 = arith.constant 0 : i32
        %dma_wait3A_285 = tpu.memref_slice %arg8[%add3A_283, %dma_wait3A_284] : memref<84x128xi32, #tpu.memory_space<vmem>> -> memref<1x128xi32, #tpu.memory_space<vmem>>
        %dma_wait3A_286 = tpu.memref_squeeze %dma_wait3A_285 : memref<1x128xi32, #tpu.memory_space<vmem>> -> memref<128xi32, #tpu.memory_space<vmem>>
        %dma_wait3A_287 = arith.constant 0 : i32
        %dma_wait3A_288 = arith.constant 0 : i32
        %dma_wait3A_289 = tpu.memref_slice %arg2[%dma_wait3A_287, %dma_wait3A_288] : memref<40000x64xf32, #tpu.memory_space<hbm>> -> memref<40000x64xf32, #tpu.memory_space<hbm>>
        tpu.wait_indirect_dma semaphore(%arg22 : memref<!tpu.dma_semaphore, #tpu.memory_space<semaphore_mem>>) src(%dma_wait3A_289 : memref<40000x64xf32, #tpu.memory_space<hbm>>) dst(%arg14 : memref<128x64xf32, #tpu.memory_space<vmem>>)
        %add3A_290 = arith.constant 0 : i32
        %add3A_291 = arith.addi %mul3A_256, %add3A_290 : i32
        %dma_start3A_292 = arith.constant 0 : i32
        %dma_start3A_293 = tpu.memref_slice %arg9[%add3A_291, %dma_start3A_292] : memref<84x128xi32, #tpu.memory_space<vmem>> -> memref<1x128xi32, #tpu.memory_space<vmem>>
        %dma_start3A_294 = tpu.memref_squeeze %dma_start3A_293 : memref<1x128xi32, #tpu.memory_space<vmem>> -> memref<128xi32, #tpu.memory_space<vmem>>
        %dma_start3A_295 = arith.constant 0 : i32
        %dma_start3A_296 = arith.constant 0 : i32
        %dma_start3A_297 = tpu.memref_slice %arg7[%dma_start3A_295, %dma_start3A_296] : memref<10240x64xf32, #tpu.memory_space<vmem_shared>> -> memref<10240x64xf32, #tpu.memory_space<vmem_shared>>
        tpu.enqueue_indirect_dma source(%arg14 : memref<128x64xf32, #tpu.memory_space<vmem>>) target(%dma_start3A_297 : memref<10240x64xf32, #tpu.memory_space<vmem_shared>>) offsets(%dma_start3A_294 : memref<128xi32, #tpu.memory_space<vmem>>) semaphore(%arg30 : memref<!tpu.dma_semaphore, #tpu.memory_space<semaphore_mem>>) {add = true}
        %add3A_298 = arith.constant 1 : i32
        %add3A_299 = arith.addi %mul3A_256, %add3A_298 : i32
        %dma_wait3A_300 = arith.constant 0 : i32
        %dma_wait3A_301 = tpu.memref_slice %arg8[%add3A_299, %dma_wait3A_300] : memref<84x128xi32, #tpu.memory_space<vmem>> -> memref<1x128xi32, #tpu.memory_space<vmem>>
        %dma_wait3A_302 = tpu.memref_squeeze %dma_wait3A_301 : memref<1x128xi32, #tpu.memory_space<vmem>> -> memref<128xi32, #tpu.memory_space<vmem>>
        %dma_wait3A_303 = arith.constant 0 : i32
        %dma_wait3A_304 = arith.constant 0 : i32
        %dma_wait3A_305 = tpu.memref_slice %arg2[%dma_wait3A_303, %dma_wait3A_304] : memref<40000x64xf32, #tpu.memory_space<hbm>> -> memref<40000x64xf32, #tpu.memory_space<hbm>>
        tpu.wait_indirect_dma semaphore(%arg23 : memref<!tpu.dma_semaphore, #tpu.memory_space<semaphore_mem>>) src(%dma_wait3A_305 : memref<40000x64xf32, #tpu.memory_space<hbm>>) dst(%arg15 : memref<128x64xf32, #tpu.memory_space<vmem>>)
        %add3A_306 = arith.constant 1 : i32
        %add3A_307 = arith.addi %mul3A_256, %add3A_306 : i32
        %dma_start3A_308 = arith.constant 0 : i32
        %dma_start3A_309 = tpu.memref_slice %arg9[%add3A_307, %dma_start3A_308] : memref<84x128xi32, #tpu.memory_space<vmem>> -> memref<1x128xi32, #tpu.memory_space<vmem>>
        %dma_start3A_310 = tpu.memref_squeeze %dma_start3A_309 : memref<1x128xi32, #tpu.memory_space<vmem>> -> memref<128xi32, #tpu.memory_space<vmem>>
        %dma_start3A_311 = arith.constant 0 : i32
        %dma_start3A_312 = arith.constant 0 : i32
        %dma_start3A_313 = tpu.memref_slice %arg7[%dma_start3A_311, %dma_start3A_312] : memref<10240x64xf32, #tpu.memory_space<vmem_shared>> -> memref<10240x64xf32, #tpu.memory_space<vmem_shared>>
        tpu.enqueue_indirect_dma source(%arg15 : memref<128x64xf32, #tpu.memory_space<vmem>>) target(%dma_start3A_313 : memref<10240x64xf32, #tpu.memory_space<vmem_shared>>) offsets(%dma_start3A_310 : memref<128xi32, #tpu.memory_space<vmem>>) semaphore(%arg31 : memref<!tpu.dma_semaphore, #tpu.memory_space<semaphore_mem>>) {add = true}
        %add3A_314 = arith.constant 2 : i32
        %add3A_315 = arith.addi %mul3A_256, %add3A_314 : i32
        %dma_wait3A_316 = arith.constant 0 : i32
        %dma_wait3A_317 = tpu.memref_slice %arg8[%add3A_315, %dma_wait3A_316] : memref<84x128xi32, #tpu.memory_space<vmem>> -> memref<1x128xi32, #tpu.memory_space<vmem>>
        %dma_wait3A_318 = tpu.memref_squeeze %dma_wait3A_317 : memref<1x128xi32, #tpu.memory_space<vmem>> -> memref<128xi32, #tpu.memory_space<vmem>>
        %dma_wait3A_319 = arith.constant 0 : i32
        %dma_wait3A_320 = arith.constant 0 : i32
        %dma_wait3A_321 = tpu.memref_slice %arg2[%dma_wait3A_319, %dma_wait3A_320] : memref<40000x64xf32, #tpu.memory_space<hbm>> -> memref<40000x64xf32, #tpu.memory_space<hbm>>
        tpu.wait_indirect_dma semaphore(%arg24 : memref<!tpu.dma_semaphore, #tpu.memory_space<semaphore_mem>>) src(%dma_wait3A_321 : memref<40000x64xf32, #tpu.memory_space<hbm>>) dst(%arg16 : memref<128x64xf32, #tpu.memory_space<vmem>>)
        %add3A_322 = arith.constant 2 : i32
        %add3A_323 = arith.addi %mul3A_256, %add3A_322 : i32
        %dma_start3A_324 = arith.constant 0 : i32
        %dma_start3A_325 = tpu.memref_slice %arg9[%add3A_323, %dma_start3A_324] : memref<84x128xi32, #tpu.memory_space<vmem>> -> memref<1x128xi32, #tpu.memory_space<vmem>>
        %dma_start3A_326 = tpu.memref_squeeze %dma_start3A_325 : memref<1x128xi32, #tpu.memory_space<vmem>> -> memref<128xi32, #tpu.memory_space<vmem>>
        %dma_start3A_327 = arith.constant 0 : i32
        %dma_start3A_328 = arith.constant 0 : i32
        %dma_start3A_329 = tpu.memref_slice %arg7[%dma_start3A_327, %dma_start3A_328] : memref<10240x64xf32, #tpu.memory_space<vmem_shared>> -> memref<10240x64xf32, #tpu.memory_space<vmem_shared>>
        tpu.enqueue_indirect_dma source(%arg16 : memref<128x64xf32, #tpu.memory_space<vmem>>) target(%dma_start3A_329 : memref<10240x64xf32, #tpu.memory_space<vmem_shared>>) offsets(%dma_start3A_326 : memref<128xi32, #tpu.memory_space<vmem>>) semaphore(%arg32 : memref<!tpu.dma_semaphore, #tpu.memory_space<semaphore_mem>>) {add = true}
        %add3A_330 = arith.constant 3 : i32
        %add3A_331 = arith.addi %mul3A_256, %add3A_330 : i32
        %dma_wait3A_332 = arith.constant 0 : i32
        %dma_wait3A_333 = tpu.memref_slice %arg8[%add3A_331, %dma_wait3A_332] : memref<84x128xi32, #tpu.memory_space<vmem>> -> memref<1x128xi32, #tpu.memory_space<vmem>>
        %dma_wait3A_334 = tpu.memref_squeeze %dma_wait3A_333 : memref<1x128xi32, #tpu.memory_space<vmem>> -> memref<128xi32, #tpu.memory_space<vmem>>
        %dma_wait3A_335 = arith.constant 0 : i32
        %dma_wait3A_336 = arith.constant 0 : i32
        %dma_wait3A_337 = tpu.memref_slice %arg2[%dma_wait3A_335, %dma_wait3A_336] : memref<40000x64xf32, #tpu.memory_space<hbm>> -> memref<40000x64xf32, #tpu.memory_space<hbm>>
        tpu.wait_indirect_dma semaphore(%arg25 : memref<!tpu.dma_semaphore, #tpu.memory_space<semaphore_mem>>) src(%dma_wait3A_337 : memref<40000x64xf32, #tpu.memory_space<hbm>>) dst(%arg17 : memref<128x64xf32, #tpu.memory_space<vmem>>)
        %add3A_338 = arith.constant 3 : i32
        %add3A_339 = arith.addi %mul3A_256, %add3A_338 : i32
        %dma_start3A_340 = arith.constant 0 : i32
        %dma_start3A_341 = tpu.memref_slice %arg9[%add3A_339, %dma_start3A_340] : memref<84x128xi32, #tpu.memory_space<vmem>> -> memref<1x128xi32, #tpu.memory_space<vmem>>
        %dma_start3A_342 = tpu.memref_squeeze %dma_start3A_341 : memref<1x128xi32, #tpu.memory_space<vmem>> -> memref<128xi32, #tpu.memory_space<vmem>>
        %dma_start3A_343 = arith.constant 0 : i32
        %dma_start3A_344 = arith.constant 0 : i32
        %dma_start3A_345 = tpu.memref_slice %arg7[%dma_start3A_343, %dma_start3A_344] : memref<10240x64xf32, #tpu.memory_space<vmem_shared>> -> memref<10240x64xf32, #tpu.memory_space<vmem_shared>>
        tpu.enqueue_indirect_dma source(%arg17 : memref<128x64xf32, #tpu.memory_space<vmem>>) target(%dma_start3A_345 : memref<10240x64xf32, #tpu.memory_space<vmem_shared>>) offsets(%dma_start3A_342 : memref<128xi32, #tpu.memory_space<vmem>>) semaphore(%arg33 : memref<!tpu.dma_semaphore, #tpu.memory_space<semaphore_mem>>) {add = true}
        %add3A_346 = arith.constant 4 : i32
        %add3A_347 = arith.addi %mul3A_256, %add3A_346 : i32
        %add3A_348 = arith.constant 0 : i32
        %add3A_349 = arith.addi %add3A_347, %add3A_348 : i32
        %lt3A_350 = arith.cmpi slt, %add3A_349, %sub3A_102 : i32
        %convert_element_type3A_351 = arith.extui %lt3A_350 : i1 to i32
        %cond3A_352 = arith.constant 0 : i32
        %cond3A_353 = arith.cmpi ne, %convert_element_type3A_351, %cond3A_352 : i32
        scf.if %cond3A_353 {
          %gt3A = arith.constant 0 : i32
          %gt3A_378 = arith.cmpi sgt, %while3A_253, %gt3A : i32
          %convert_element_type3A_379 = arith.extui %gt3A_378 : i1 to i32
          %cond3A_380 = arith.constant 0 : i32
          %cond3A_381 = arith.cmpi ne, %convert_element_type3A_379, %cond3A_380 : i32
          scf.if %cond3A_381 {
            %dma_wait3A_388 = arith.constant 0 : i32
            %dma_wait3A_389 = arith.constant 0 : i32
            %dma_wait3A_390 = tpu.memref_slice %arg9[%dma_wait3A_388, %dma_wait3A_389] : memref<84x128xi32, #tpu.memory_space<vmem>> -> memref<1x128xi32, #tpu.memory_space<vmem>>
            %dma_wait3A_391 = tpu.memref_squeeze %dma_wait3A_390 : memref<1x128xi32, #tpu.memory_space<vmem>> -> memref<128xi32, #tpu.memory_space<vmem>>
            %dma_wait3A_392 = arith.constant 0 : i32
            %dma_wait3A_393 = arith.constant 0 : i32
            %dma_wait3A_394 = tpu.memref_slice %arg7[%dma_wait3A_392, %dma_wait3A_393] : memref<10240x64xf32, #tpu.memory_space<vmem_shared>> -> memref<10240x64xf32, #tpu.memory_space<vmem_shared>>
            tpu.wait_indirect_dma semaphore(%arg26 : memref<!tpu.dma_semaphore, #tpu.memory_space<semaphore_mem>>) src(%arg10 : memref<128x64xf32, #tpu.memory_space<vmem>>) dst(%dma_wait3A_394 : memref<10240x64xf32, #tpu.memory_space<vmem_shared>>)
          } else {
          }
          %dma_start3A_382 = arith.constant 0 : i32
          %dma_start3A_383 = tpu.memref_slice %arg8[%add3A_349, %dma_start3A_382] : memref<84x128xi32, #tpu.memory_space<vmem>> -> memref<1x128xi32, #tpu.memory_space<vmem>>
          %dma_start3A_384 = tpu.memref_squeeze %dma_start3A_383 : memref<1x128xi32, #tpu.memory_space<vmem>> -> memref<128xi32, #tpu.memory_space<vmem>>
          %dma_start3A_385 = arith.constant 0 : i32
          %dma_start3A_386 = arith.constant 0 : i32
          %dma_start3A_387 = tpu.memref_slice %arg2[%dma_start3A_385, %dma_start3A_386] : memref<40000x64xf32, #tpu.memory_space<hbm>> -> memref<40000x64xf32, #tpu.memory_space<hbm>>
          tpu.enqueue_indirect_dma source(%dma_start3A_387 : memref<40000x64xf32, #tpu.memory_space<hbm>>) target(%arg10 : memref<128x64xf32, #tpu.memory_space<vmem>>) offsets(%dma_start3A_384 : memref<128xi32, #tpu.memory_space<vmem>>) semaphore(%arg18 : memref<!tpu.dma_semaphore, #tpu.memory_space<semaphore_mem>>)
        } else {
        }
        %add3A_354 = arith.constant 4 : i32
        %add3A_355 = arith.addi %mul3A_256, %add3A_354 : i32
        %add3A_356 = arith.constant 1 : i32
        %add3A_357 = arith.addi %add3A_355, %add3A_356 : i32
        %lt3A_358 = arith.cmpi slt, %add3A_357, %sub3A_102 : i32
        %convert_element_type3A_359 = arith.extui %lt3A_358 : i1 to i32
        %cond3A_360 = arith.constant 0 : i32
        %cond3A_361 = arith.cmpi ne, %convert_element_type3A_359, %cond3A_360 : i32
        scf.if %cond3A_361 {
          %gt3A = arith.constant 0 : i32
          %gt3A_378 = arith.cmpi sgt, %while3A_253, %gt3A : i32
          %convert_element_type3A_379 = arith.extui %gt3A_378 : i1 to i32
          %cond3A_380 = arith.constant 0 : i32
          %cond3A_381 = arith.cmpi ne, %convert_element_type3A_379, %cond3A_380 : i32
          scf.if %cond3A_381 {
            %dma_wait3A_388 = arith.constant 0 : i32
            %dma_wait3A_389 = arith.constant 0 : i32
            %dma_wait3A_390 = tpu.memref_slice %arg9[%dma_wait3A_388, %dma_wait3A_389] : memref<84x128xi32, #tpu.memory_space<vmem>> -> memref<1x128xi32, #tpu.memory_space<vmem>>
            %dma_wait3A_391 = tpu.memref_squeeze %dma_wait3A_390 : memref<1x128xi32, #tpu.memory_space<vmem>> -> memref<128xi32, #tpu.memory_space<vmem>>
            %dma_wait3A_392 = arith.constant 0 : i32
            %dma_wait3A_393 = arith.constant 0 : i32
            %dma_wait3A_394 = tpu.memref_slice %arg7[%dma_wait3A_392, %dma_wait3A_393] : memref<10240x64xf32, #tpu.memory_space<vmem_shared>> -> memref<10240x64xf32, #tpu.memory_space<vmem_shared>>
            tpu.wait_indirect_dma semaphore(%arg27 : memref<!tpu.dma_semaphore, #tpu.memory_space<semaphore_mem>>) src(%arg11 : memref<128x64xf32, #tpu.memory_space<vmem>>) dst(%dma_wait3A_394 : memref<10240x64xf32, #tpu.memory_space<vmem_shared>>)
          } else {
          }
          %dma_start3A_382 = arith.constant 0 : i32
          %dma_start3A_383 = tpu.memref_slice %arg8[%add3A_357, %dma_start3A_382] : memref<84x128xi32, #tpu.memory_space<vmem>> -> memref<1x128xi32, #tpu.memory_space<vmem>>
          %dma_start3A_384 = tpu.memref_squeeze %dma_start3A_383 : memref<1x128xi32, #tpu.memory_space<vmem>> -> memref<128xi32, #tpu.memory_space<vmem>>
          %dma_start3A_385 = arith.constant 0 : i32
          %dma_start3A_386 = arith.constant 0 : i32
          %dma_start3A_387 = tpu.memref_slice %arg2[%dma_start3A_385, %dma_start3A_386] : memref<40000x64xf32, #tpu.memory_space<hbm>> -> memref<40000x64xf32, #tpu.memory_space<hbm>>
          tpu.enqueue_indirect_dma source(%dma_start3A_387 : memref<40000x64xf32, #tpu.memory_space<hbm>>) target(%arg11 : memref<128x64xf32, #tpu.memory_space<vmem>>) offsets(%dma_start3A_384 : memref<128xi32, #tpu.memory_space<vmem>>) semaphore(%arg19 : memref<!tpu.dma_semaphore, #tpu.memory_space<semaphore_mem>>)
        } else {
        }
        %add3A_362 = arith.constant 4 : i32
        %add3A_363 = arith.addi %mul3A_256, %add3A_362 : i32
        %add3A_364 = arith.constant 2 : i32
        %add3A_365 = arith.addi %add3A_363, %add3A_364 : i32
        %lt3A_366 = arith.cmpi slt, %add3A_365, %sub3A_102 : i32
        %convert_element_type3A_367 = arith.extui %lt3A_366 : i1 to i32
        %cond3A_368 = arith.constant 0 : i32
        %cond3A_369 = arith.cmpi ne, %convert_element_type3A_367, %cond3A_368 : i32
        scf.if %cond3A_369 {
          %gt3A = arith.constant 0 : i32
          %gt3A_378 = arith.cmpi sgt, %while3A_253, %gt3A : i32
          %convert_element_type3A_379 = arith.extui %gt3A_378 : i1 to i32
          %cond3A_380 = arith.constant 0 : i32
          %cond3A_381 = arith.cmpi ne, %convert_element_type3A_379, %cond3A_380 : i32
          scf.if %cond3A_381 {
            %dma_wait3A_388 = arith.constant 0 : i32
            %dma_wait3A_389 = arith.constant 0 : i32
            %dma_wait3A_390 = tpu.memref_slice %arg9[%dma_wait3A_388, %dma_wait3A_389] : memref<84x128xi32, #tpu.memory_space<vmem>> -> memref<1x128xi32, #tpu.memory_space<vmem>>
            %dma_wait3A_391 = tpu.memref_squeeze %dma_wait3A_390 : memref<1x128xi32, #tpu.memory_space<vmem>> -> memref<128xi32, #tpu.memory_space<vmem>>
            %dma_wait3A_392 = arith.constant 0 : i32
            %dma_wait3A_393 = arith.constant 0 : i32
            %dma_wait3A_394 = tpu.memref_slice %arg7[%dma_wait3A_392, %dma_wait3A_393] : memref<10240x64xf32, #tpu.memory_space<vmem_shared>> -> memref<10240x64xf32, #tpu.memory_space<vmem_shared>>
            tpu.wait_indirect_dma semaphore(%arg28 : memref<!tpu.dma_semaphore, #tpu.memory_space<semaphore_mem>>) src(%arg12 : memref<128x64xf32, #tpu.memory_space<vmem>>) dst(%dma_wait3A_394 : memref<10240x64xf32, #tpu.memory_space<vmem_shared>>)
          } else {
          }
          %dma_start3A_382 = arith.constant 0 : i32
          %dma_start3A_383 = tpu.memref_slice %arg8[%add3A_365, %dma_start3A_382] : memref<84x128xi32, #tpu.memory_space<vmem>> -> memref<1x128xi32, #tpu.memory_space<vmem>>
          %dma_start3A_384 = tpu.memref_squeeze %dma_start3A_383 : memref<1x128xi32, #tpu.memory_space<vmem>> -> memref<128xi32, #tpu.memory_space<vmem>>
          %dma_start3A_385 = arith.constant 0 : i32
          %dma_start3A_386 = arith.constant 0 : i32
          %dma_start3A_387 = tpu.memref_slice %arg2[%dma_start3A_385, %dma_start3A_386] : memref<40000x64xf32, #tpu.memory_space<hbm>> -> memref<40000x64xf32, #tpu.memory_space<hbm>>
          tpu.enqueue_indirect_dma source(%dma_start3A_387 : memref<40000x64xf32, #tpu.memory_space<hbm>>) target(%arg12 : memref<128x64xf32, #tpu.memory_space<vmem>>) offsets(%dma_start3A_384 : memref<128xi32, #tpu.memory_space<vmem>>) semaphore(%arg20 : memref<!tpu.dma_semaphore, #tpu.memory_space<semaphore_mem>>)
        } else {
        }
        %add3A_370 = arith.constant 4 : i32
        %add3A_371 = arith.addi %mul3A_256, %add3A_370 : i32
        %add3A_372 = arith.constant 3 : i32
        %add3A_373 = arith.addi %add3A_371, %add3A_372 : i32
        %lt3A_374 = arith.cmpi slt, %add3A_373, %sub3A_102 : i32
        %convert_element_type3A_375 = arith.extui %lt3A_374 : i1 to i32
        %cond3A_376 = arith.constant 0 : i32
        %cond3A_377 = arith.cmpi ne, %convert_element_type3A_375, %cond3A_376 : i32
        scf.if %cond3A_377 {
          %gt3A = arith.constant 0 : i32
          %gt3A_378 = arith.cmpi sgt, %while3A_253, %gt3A : i32
          %convert_element_type3A_379 = arith.extui %gt3A_378 : i1 to i32
          %cond3A_380 = arith.constant 0 : i32
          %cond3A_381 = arith.cmpi ne, %convert_element_type3A_379, %cond3A_380 : i32
          scf.if %cond3A_381 {
            %dma_wait3A_388 = arith.constant 0 : i32
            %dma_wait3A_389 = arith.constant 0 : i32
            %dma_wait3A_390 = tpu.memref_slice %arg9[%dma_wait3A_388, %dma_wait3A_389] : memref<84x128xi32, #tpu.memory_space<vmem>> -> memref<1x128xi32, #tpu.memory_space<vmem>>
            %dma_wait3A_391 = tpu.memref_squeeze %dma_wait3A_390 : memref<1x128xi32, #tpu.memory_space<vmem>> -> memref<128xi32, #tpu.memory_space<vmem>>
            %dma_wait3A_392 = arith.constant 0 : i32
            %dma_wait3A_393 = arith.constant 0 : i32
            %dma_wait3A_394 = tpu.memref_slice %arg7[%dma_wait3A_392, %dma_wait3A_393] : memref<10240x64xf32, #tpu.memory_space<vmem_shared>> -> memref<10240x64xf32, #tpu.memory_space<vmem_shared>>
            tpu.wait_indirect_dma semaphore(%arg29 : memref<!tpu.dma_semaphore, #tpu.memory_space<semaphore_mem>>) src(%arg13 : memref<128x64xf32, #tpu.memory_space<vmem>>) dst(%dma_wait3A_394 : memref<10240x64xf32, #tpu.memory_space<vmem_shared>>)
          } else {
          }
          %dma_start3A_382 = arith.constant 0 : i32
          %dma_start3A_383 = tpu.memref_slice %arg8[%add3A_373, %dma_start3A_382] : memref<84x128xi32, #tpu.memory_space<vmem>> -> memref<1x128xi32, #tpu.memory_space<vmem>>
          %dma_start3A_384 = tpu.memref_squeeze %dma_start3A_383 : memref<1x128xi32, #tpu.memory_space<vmem>> -> memref<128xi32, #tpu.memory_space<vmem>>
          %dma_start3A_385 = arith.constant 0 : i32
          %dma_start3A_386 = arith.constant 0 : i32
          %dma_start3A_387 = tpu.memref_slice %arg2[%dma_start3A_385, %dma_start3A_386] : memref<40000x64xf32, #tpu.memory_space<hbm>> -> memref<40000x64xf32, #tpu.memory_space<hbm>>
          tpu.enqueue_indirect_dma source(%dma_start3A_387 : memref<40000x64xf32, #tpu.memory_space<hbm>>) target(%arg13 : memref<128x64xf32, #tpu.memory_space<vmem>>) offsets(%dma_start3A_384 : memref<128xi32, #tpu.memory_space<vmem>>) semaphore(%arg21 : memref<!tpu.dma_semaphore, #tpu.memory_space<semaphore_mem>>)
        } else {
        }
      } else {
      }
      %while3A_281 = arith.constant 0 : i32
      scf.yield %while3A_281 : i32
    }
    %while3A_193 = arith.constant 1 : i32
    %while3A_194 = scf.for %while3A_253 = %while3A_190 to %while3A_186 step %while3A_193 iter_args(%while3A_254 = %while3A_192) -> (i32)  : i32 {
      %mul3A_255 = arith.constant 4 : i32
      %mul3A_256 = arith.muli %mul3A_255, %while3A_253 : i32
      %jit3A_257 = arith.constant 2 : i32
      %eq3A_258 = arith.constant 0 : i32
      %eq3A_259 = arith.cmpi eq, %jit3A_257, %eq3A_258 : i32
      %jit3A_260 = arith.constant 1 : i32
      %select_n3A_261 = arith.select %eq3A_259, %jit3A_260, %jit3A_257 : i32
      %rem3A_262 = arith.remsi %while3A_253, %select_n3A_261 : i32
      %ne3A_263 = arith.constant 0 : i32
      %ne3A_264 = arith.cmpi ne, %rem3A_262, %ne3A_263 : i32
      %lt3A = arith.constant 0 : i32
      %lt3A_265 = arith.cmpi slt, %rem3A_262, %lt3A : i32
      %lt3A_266 = arith.constant 0 : i32
      %lt3A_267 = arith.cmpi slt, %select_n3A_261, %lt3A_266 : i32
      %ne3A_268 = arith.xori %lt3A_265, %lt3A_267 : i1
      %and3A_269 = arith.andi %ne3A_268, %ne3A_264 : i1
      %add3A_270 = arith.addi %rem3A_262, %select_n3A_261 : i32
      %select_n3A_271 = arith.select %and3A_269, %add3A_270, %rem3A_262 : i32
      %eq3A_272 = arith.constant 0 : i32
      %eq3A_273 = arith.cmpi eq, %select_n3A_271, %eq3A_272 : i32
      %convert_element_type3A_274 = arith.extui %eq3A_273 : i1 to i32
      %cond3A_275 = arith.constant 0 : i32
      %cond3A_276 = arith.cmpi ne, %convert_element_type3A_274, %cond3A_275 : i32
      scf.if %cond3A_276 {
        %add3A_282 = arith.constant 0 : i32
        %add3A_283 = arith.addi %mul3A_256, %add3A_282 : i32
        %dma_wait3A_284 = arith.constant 0 : i32
        %dma_wait3A_285 = tpu.memref_slice %arg8[%add3A_283, %dma_wait3A_284] : memref<84x128xi32, #tpu.memory_space<vmem>> -> memref<1x128xi32, #tpu.memory_space<vmem>>
        %dma_wait3A_286 = tpu.memref_squeeze %dma_wait3A_285 : memref<1x128xi32, #tpu.memory_space<vmem>> -> memref<128xi32, #tpu.memory_space<vmem>>
        %dma_wait3A_287 = arith.constant 0 : i32
        %dma_wait3A_288 = arith.constant 0 : i32
        %dma_wait3A_289 = tpu.memref_slice %arg2[%dma_wait3A_287, %dma_wait3A_288] : memref<40000x64xf32, #tpu.memory_space<hbm>> -> memref<40000x64xf32, #tpu.memory_space<hbm>>
        tpu.wait_indirect_dma semaphore(%arg18 : memref<!tpu.dma_semaphore, #tpu.memory_space<semaphore_mem>>) src(%dma_wait3A_289 : memref<40000x64xf32, #tpu.memory_space<hbm>>) dst(%arg10 : memref<128x64xf32, #tpu.memory_space<vmem>>)
        %add3A_290 = arith.constant 0 : i32
        %add3A_291 = arith.addi %mul3A_256, %add3A_290 : i32
        %dma_start3A_292 = arith.constant 0 : i32
        %dma_start3A_293 = tpu.memref_slice %arg9[%add3A_291, %dma_start3A_292] : memref<84x128xi32, #tpu.memory_space<vmem>> -> memref<1x128xi32, #tpu.memory_space<vmem>>
        %dma_start3A_294 = tpu.memref_squeeze %dma_start3A_293 : memref<1x128xi32, #tpu.memory_space<vmem>> -> memref<128xi32, #tpu.memory_space<vmem>>
        %dma_start3A_295 = arith.constant 0 : i32
        %dma_start3A_296 = arith.constant 0 : i32
        %dma_start3A_297 = tpu.memref_slice %arg7[%dma_start3A_295, %dma_start3A_296] : memref<10240x64xf32, #tpu.memory_space<vmem_shared>> -> memref<10240x64xf32, #tpu.memory_space<vmem_shared>>
        tpu.enqueue_indirect_dma source(%arg10 : memref<128x64xf32, #tpu.memory_space<vmem>>) target(%dma_start3A_297 : memref<10240x64xf32, #tpu.memory_space<vmem_shared>>) offsets(%dma_start3A_294 : memref<128xi32, #tpu.memory_space<vmem>>) semaphore(%arg26 : memref<!tpu.dma_semaphore, #tpu.memory_space<semaphore_mem>>) {add = true}
        %add3A_298 = arith.constant 1 : i32
        %add3A_299 = arith.addi %mul3A_256, %add3A_298 : i32
        %dma_wait3A_300 = arith.constant 0 : i32
        %dma_wait3A_301 = tpu.memref_slice %arg8[%add3A_299, %dma_wait3A_300] : memref<84x128xi32, #tpu.memory_space<vmem>> -> memref<1x128xi32, #tpu.memory_space<vmem>>
        %dma_wait3A_302 = tpu.memref_squeeze %dma_wait3A_301 : memref<1x128xi32, #tpu.memory_space<vmem>> -> memref<128xi32, #tpu.memory_space<vmem>>
        %dma_wait3A_303 = arith.constant 0 : i32
        %dma_wait3A_304 = arith.constant 0 : i32
        %dma_wait3A_305 = tpu.memref_slice %arg2[%dma_wait3A_303, %dma_wait3A_304] : memref<40000x64xf32, #tpu.memory_space<hbm>> -> memref<40000x64xf32, #tpu.memory_space<hbm>>
        tpu.wait_indirect_dma semaphore(%arg19 : memref<!tpu.dma_semaphore, #tpu.memory_space<semaphore_mem>>) src(%dma_wait3A_305 : memref<40000x64xf32, #tpu.memory_space<hbm>>) dst(%arg11 : memref<128x64xf32, #tpu.memory_space<vmem>>)
        %add3A_306 = arith.constant 1 : i32
        %add3A_307 = arith.addi %mul3A_256, %add3A_306 : i32
        %dma_start3A_308 = arith.constant 0 : i32
        %dma_start3A_309 = tpu.memref_slice %arg9[%add3A_307, %dma_start3A_308] : memref<84x128xi32, #tpu.memory_space<vmem>> -> memref<1x128xi32, #tpu.memory_space<vmem>>
        %dma_start3A_310 = tpu.memref_squeeze %dma_start3A_309 : memref<1x128xi32, #tpu.memory_space<vmem>> -> memref<128xi32, #tpu.memory_space<vmem>>
        %dma_start3A_311 = arith.constant 0 : i32
        %dma_start3A_312 = arith.constant 0 : i32
        %dma_start3A_313 = tpu.memref_slice %arg7[%dma_start3A_311, %dma_start3A_312] : memref<10240x64xf32, #tpu.memory_space<vmem_shared>> -> memref<10240x64xf32, #tpu.memory_space<vmem_shared>>
        tpu.enqueue_indirect_dma source(%arg11 : memref<128x64xf32, #tpu.memory_space<vmem>>) target(%dma_start3A_313 : memref<10240x64xf32, #tpu.memory_space<vmem_shared>>) offsets(%dma_start3A_310 : memref<128xi32, #tpu.memory_space<vmem>>) semaphore(%arg27 : memref<!tpu.dma_semaphore, #tpu.memory_space<semaphore_mem>>) {add = true}
        %add3A_314 = arith.constant 2 : i32
        %add3A_315 = arith.addi %mul3A_256, %add3A_314 : i32
        %dma_wait3A_316 = arith.constant 0 : i32
        %dma_wait3A_317 = tpu.memref_slice %arg8[%add3A_315, %dma_wait3A_316] : memref<84x128xi32, #tpu.memory_space<vmem>> -> memref<1x128xi32, #tpu.memory_space<vmem>>
        %dma_wait3A_318 = tpu.memref_squeeze %dma_wait3A_317 : memref<1x128xi32, #tpu.memory_space<vmem>> -> memref<128xi32, #tpu.memory_space<vmem>>
        %dma_wait3A_319 = arith.constant 0 : i32
        %dma_wait3A_320 = arith.constant 0 : i32
        %dma_wait3A_321 = tpu.memref_slice %arg2[%dma_wait3A_319, %dma_wait3A_320] : memref<40000x64xf32, #tpu.memory_space<hbm>> -> memref<40000x64xf32, #tpu.memory_space<hbm>>
        tpu.wait_indirect_dma semaphore(%arg20 : memref<!tpu.dma_semaphore, #tpu.memory_space<semaphore_mem>>) src(%dma_wait3A_321 : memref<40000x64xf32, #tpu.memory_space<hbm>>) dst(%arg12 : memref<128x64xf32, #tpu.memory_space<vmem>>)
        %add3A_322 = arith.constant 2 : i32
        %add3A_323 = arith.addi %mul3A_256, %add3A_322 : i32
        %dma_start3A_324 = arith.constant 0 : i32
        %dma_start3A_325 = tpu.memref_slice %arg9[%add3A_323, %dma_start3A_324] : memref<84x128xi32, #tpu.memory_space<vmem>> -> memref<1x128xi32, #tpu.memory_space<vmem>>
        %dma_start3A_326 = tpu.memref_squeeze %dma_start3A_325 : memref<1x128xi32, #tpu.memory_space<vmem>> -> memref<128xi32, #tpu.memory_space<vmem>>
        %dma_start3A_327 = arith.constant 0 : i32
        %dma_start3A_328 = arith.constant 0 : i32
        %dma_start3A_329 = tpu.memref_slice %arg7[%dma_start3A_327, %dma_start3A_328] : memref<10240x64xf32, #tpu.memory_space<vmem_shared>> -> memref<10240x64xf32, #tpu.memory_space<vmem_shared>>
        tpu.enqueue_indirect_dma source(%arg12 : memref<128x64xf32, #tpu.memory_space<vmem>>) target(%dma_start3A_329 : memref<10240x64xf32, #tpu.memory_space<vmem_shared>>) offsets(%dma_start3A_326 : memref<128xi32, #tpu.memory_space<vmem>>) semaphore(%arg28 : memref<!tpu.dma_semaphore, #tpu.memory_space<semaphore_mem>>) {add = true}
        %add3A_330 = arith.constant 3 : i32
        %add3A_331 = arith.addi %mul3A_256, %add3A_330 : i32
        %dma_wait3A_332 = arith.constant 0 : i32
        %dma_wait3A_333 = tpu.memref_slice %arg8[%add3A_331, %dma_wait3A_332] : memref<84x128xi32, #tpu.memory_space<vmem>> -> memref<1x128xi32, #tpu.memory_space<vmem>>
        %dma_wait3A_334 = tpu.memref_squeeze %dma_wait3A_333 : memref<1x128xi32, #tpu.memory_space<vmem>> -> memref<128xi32, #tpu.memory_space<vmem>>
        %dma_wait3A_335 = arith.constant 0 : i32
        %dma_wait3A_336 = arith.constant 0 : i32
        %dma_wait3A_337 = tpu.memref_slice %arg2[%dma_wait3A_335, %dma_wait3A_336] : memref<40000x64xf32, #tpu.memory_space<hbm>> -> memref<40000x64xf32, #tpu.memory_space<hbm>>
        tpu.wait_indirect_dma semaphore(%arg21 : memref<!tpu.dma_semaphore, #tpu.memory_space<semaphore_mem>>) src(%dma_wait3A_337 : memref<40000x64xf32, #tpu.memory_space<hbm>>) dst(%arg13 : memref<128x64xf32, #tpu.memory_space<vmem>>)
        %add3A_338 = arith.constant 3 : i32
        %add3A_339 = arith.addi %mul3A_256, %add3A_338 : i32
        %dma_start3A_340 = arith.constant 0 : i32
        %dma_start3A_341 = tpu.memref_slice %arg9[%add3A_339, %dma_start3A_340] : memref<84x128xi32, #tpu.memory_space<vmem>> -> memref<1x128xi32, #tpu.memory_space<vmem>>
        %dma_start3A_342 = tpu.memref_squeeze %dma_start3A_341 : memref<1x128xi32, #tpu.memory_space<vmem>> -> memref<128xi32, #tpu.memory_space<vmem>>
        %dma_start3A_343 = arith.constant 0 : i32
        %dma_start3A_344 = arith.constant 0 : i32
        %dma_start3A_345 = tpu.memref_slice %arg7[%dma_start3A_343, %dma_start3A_344] : memref<10240x64xf32, #tpu.memory_space<vmem_shared>> -> memref<10240x64xf32, #tpu.memory_space<vmem_shared>>
        tpu.enqueue_indirect_dma source(%arg13 : memref<128x64xf32, #tpu.memory_space<vmem>>) target(%dma_start3A_345 : memref<10240x64xf32, #tpu.memory_space<vmem_shared>>) offsets(%dma_start3A_342 : memref<128xi32, #tpu.memory_space<vmem>>) semaphore(%arg29 : memref<!tpu.dma_semaphore, #tpu.memory_space<semaphore_mem>>) {add = true}
        %add3A_346 = arith.constant 4 : i32
        %add3A_347 = arith.addi %mul3A_256, %add3A_346 : i32
        %add3A_348 = arith.constant 0 : i32
        %add3A_349 = arith.addi %add3A_347, %add3A_348 : i32
        %lt3A_350 = arith.cmpi slt, %add3A_349, %sub3A_102 : i32
        %convert_element_type3A_351 = arith.extui %lt3A_350 : i1 to i32
        %cond3A_352 = arith.constant 0 : i32
        %cond3A_353 = arith.cmpi ne, %convert_element_type3A_351, %cond3A_352 : i32
        scf.if %cond3A_353 {
          %gt3A = arith.constant 0 : i32
          %gt3A_378 = arith.cmpi sgt, %while3A_253, %gt3A : i32
          %convert_element_type3A_379 = arith.extui %gt3A_378 : i1 to i32
          %cond3A_380 = arith.constant 0 : i32
          %cond3A_381 = arith.cmpi ne, %convert_element_type3A_379, %cond3A_380 : i32
          scf.if %cond3A_381 {
            %dma_wait3A_388 = arith.constant 0 : i32
            %dma_wait3A_389 = arith.constant 0 : i32
            %dma_wait3A_390 = tpu.memref_slice %arg9[%dma_wait3A_388, %dma_wait3A_389] : memref<84x128xi32, #tpu.memory_space<vmem>> -> memref<1x128xi32, #tpu.memory_space<vmem>>
            %dma_wait3A_391 = tpu.memref_squeeze %dma_wait3A_390 : memref<1x128xi32, #tpu.memory_space<vmem>> -> memref<128xi32, #tpu.memory_space<vmem>>
            %dma_wait3A_392 = arith.constant 0 : i32
            %dma_wait3A_393 = arith.constant 0 : i32
            %dma_wait3A_394 = tpu.memref_slice %arg7[%dma_wait3A_392, %dma_wait3A_393] : memref<10240x64xf32, #tpu.memory_space<vmem_shared>> -> memref<10240x64xf32, #tpu.memory_space<vmem_shared>>
            tpu.wait_indirect_dma semaphore(%arg30 : memref<!tpu.dma_semaphore, #tpu.memory_space<semaphore_mem>>) src(%arg14 : memref<128x64xf32, #tpu.memory_space<vmem>>) dst(%dma_wait3A_394 : memref<10240x64xf32, #tpu.memory_space<vmem_shared>>)
          } else {
          }
          %dma_start3A_382 = arith.constant 0 : i32
          %dma_start3A_383 = tpu.memref_slice %arg8[%add3A_349, %dma_start3A_382] : memref<84x128xi32, #tpu.memory_space<vmem>> -> memref<1x128xi32, #tpu.memory_space<vmem>>
          %dma_start3A_384 = tpu.memref_squeeze %dma_start3A_383 : memref<1x128xi32, #tpu.memory_space<vmem>> -> memref<128xi32, #tpu.memory_space<vmem>>
          %dma_start3A_385 = arith.constant 0 : i32
          %dma_start3A_386 = arith.constant 0 : i32
          %dma_start3A_387 = tpu.memref_slice %arg2[%dma_start3A_385, %dma_start3A_386] : memref<40000x64xf32, #tpu.memory_space<hbm>> -> memref<40000x64xf32, #tpu.memory_space<hbm>>
          tpu.enqueue_indirect_dma source(%dma_start3A_387 : memref<40000x64xf32, #tpu.memory_space<hbm>>) target(%arg14 : memref<128x64xf32, #tpu.memory_space<vmem>>) offsets(%dma_start3A_384 : memref<128xi32, #tpu.memory_space<vmem>>) semaphore(%arg22 : memref<!tpu.dma_semaphore, #tpu.memory_space<semaphore_mem>>)
        } else {
        }
        %add3A_354 = arith.constant 4 : i32
        %add3A_355 = arith.addi %mul3A_256, %add3A_354 : i32
        %add3A_356 = arith.constant 1 : i32
        %add3A_357 = arith.addi %add3A_355, %add3A_356 : i32
        %lt3A_358 = arith.cmpi slt, %add3A_357, %sub3A_102 : i32
        %convert_element_type3A_359 = arith.extui %lt3A_358 : i1 to i32
        %cond3A_360 = arith.constant 0 : i32
        %cond3A_361 = arith.cmpi ne, %convert_element_type3A_359, %cond3A_360 : i32
        scf.if %cond3A_361 {
          %gt3A = arith.constant 0 : i32
          %gt3A_378 = arith.cmpi sgt, %while3A_253, %gt3A : i32
          %convert_element_type3A_379 = arith.extui %gt3A_378 : i1 to i32
          %cond3A_380 = arith.constant 0 : i32
          %cond3A_381 = arith.cmpi ne, %convert_element_type3A_379, %cond3A_380 : i32
          scf.if %cond3A_381 {
            %dma_wait3A_388 = arith.constant 0 : i32
            %dma_wait3A_389 = arith.constant 0 : i32
            %dma_wait3A_390 = tpu.memref_slice %arg9[%dma_wait3A_388, %dma_wait3A_389] : memref<84x128xi32, #tpu.memory_space<vmem>> -> memref<1x128xi32, #tpu.memory_space<vmem>>
            %dma_wait3A_391 = tpu.memref_squeeze %dma_wait3A_390 : memref<1x128xi32, #tpu.memory_space<vmem>> -> memref<128xi32, #tpu.memory_space<vmem>>
            %dma_wait3A_392 = arith.constant 0 : i32
            %dma_wait3A_393 = arith.constant 0 : i32
            %dma_wait3A_394 = tpu.memref_slice %arg7[%dma_wait3A_392, %dma_wait3A_393] : memref<10240x64xf32, #tpu.memory_space<vmem_shared>> -> memref<10240x64xf32, #tpu.memory_space<vmem_shared>>
            tpu.wait_indirect_dma semaphore(%arg31 : memref<!tpu.dma_semaphore, #tpu.memory_space<semaphore_mem>>) src(%arg15 : memref<128x64xf32, #tpu.memory_space<vmem>>) dst(%dma_wait3A_394 : memref<10240x64xf32, #tpu.memory_space<vmem_shared>>)
          } else {
          }
          %dma_start3A_382 = arith.constant 0 : i32
          %dma_start3A_383 = tpu.memref_slice %arg8[%add3A_357, %dma_start3A_382] : memref<84x128xi32, #tpu.memory_space<vmem>> -> memref<1x128xi32, #tpu.memory_space<vmem>>
          %dma_start3A_384 = tpu.memref_squeeze %dma_start3A_383 : memref<1x128xi32, #tpu.memory_space<vmem>> -> memref<128xi32, #tpu.memory_space<vmem>>
          %dma_start3A_385 = arith.constant 0 : i32
          %dma_start3A_386 = arith.constant 0 : i32
          %dma_start3A_387 = tpu.memref_slice %arg2[%dma_start3A_385, %dma_start3A_386] : memref<40000x64xf32, #tpu.memory_space<hbm>> -> memref<40000x64xf32, #tpu.memory_space<hbm>>
          tpu.enqueue_indirect_dma source(%dma_start3A_387 : memref<40000x64xf32, #tpu.memory_space<hbm>>) target(%arg15 : memref<128x64xf32, #tpu.memory_space<vmem>>) offsets(%dma_start3A_384 : memref<128xi32, #tpu.memory_space<vmem>>) semaphore(%arg23 : memref<!tpu.dma_semaphore, #tpu.memory_space<semaphore_mem>>)
        } else {
        }
        %add3A_362 = arith.constant 4 : i32
        %add3A_363 = arith.addi %mul3A_256, %add3A_362 : i32
        %add3A_364 = arith.constant 2 : i32
        %add3A_365 = arith.addi %add3A_363, %add3A_364 : i32
        %lt3A_366 = arith.cmpi slt, %add3A_365, %sub3A_102 : i32
        %convert_element_type3A_367 = arith.extui %lt3A_366 : i1 to i32
        %cond3A_368 = arith.constant 0 : i32
        %cond3A_369 = arith.cmpi ne, %convert_element_type3A_367, %cond3A_368 : i32
        scf.if %cond3A_369 {
          %gt3A = arith.constant 0 : i32
          %gt3A_378 = arith.cmpi sgt, %while3A_253, %gt3A : i32
          %convert_element_type3A_379 = arith.extui %gt3A_378 : i1 to i32
          %cond3A_380 = arith.constant 0 : i32
          %cond3A_381 = arith.cmpi ne, %convert_element_type3A_379, %cond3A_380 : i32
          scf.if %cond3A_381 {
            %dma_wait3A_388 = arith.constant 0 : i32
            %dma_wait3A_389 = arith.constant 0 : i32
            %dma_wait3A_390 = tpu.memref_slice %arg9[%dma_wait3A_388, %dma_wait3A_389] : memref<84x128xi32, #tpu.memory_space<vmem>> -> memref<1x128xi32, #tpu.memory_space<vmem>>
            %dma_wait3A_391 = tpu.memref_squeeze %dma_wait3A_390 : memref<1x128xi32, #tpu.memory_space<vmem>> -> memref<128xi32, #tpu.memory_space<vmem>>
            %dma_wait3A_392 = arith.constant 0 : i32
            %dma_wait3A_393 = arith.constant 0 : i32
            %dma_wait3A_394 = tpu.memref_slice %arg7[%dma_wait3A_392, %dma_wait3A_393] : memref<10240x64xf32, #tpu.memory_space<vmem_shared>> -> memref<10240x64xf32, #tpu.memory_space<vmem_shared>>
            tpu.wait_indirect_dma semaphore(%arg32 : memref<!tpu.dma_semaphore, #tpu.memory_space<semaphore_mem>>) src(%arg16 : memref<128x64xf32, #tpu.memory_space<vmem>>) dst(%dma_wait3A_394 : memref<10240x64xf32, #tpu.memory_space<vmem_shared>>)
          } else {
          }
          %dma_start3A_382 = arith.constant 0 : i32
          %dma_start3A_383 = tpu.memref_slice %arg8[%add3A_365, %dma_start3A_382] : memref<84x128xi32, #tpu.memory_space<vmem>> -> memref<1x128xi32, #tpu.memory_space<vmem>>
          %dma_start3A_384 = tpu.memref_squeeze %dma_start3A_383 : memref<1x128xi32, #tpu.memory_space<vmem>> -> memref<128xi32, #tpu.memory_space<vmem>>
          %dma_start3A_385 = arith.constant 0 : i32
          %dma_start3A_386 = arith.constant 0 : i32
          %dma_start3A_387 = tpu.memref_slice %arg2[%dma_start3A_385, %dma_start3A_386] : memref<40000x64xf32, #tpu.memory_space<hbm>> -> memref<40000x64xf32, #tpu.memory_space<hbm>>
          tpu.enqueue_indirect_dma source(%dma_start3A_387 : memref<40000x64xf32, #tpu.memory_space<hbm>>) target(%arg16 : memref<128x64xf32, #tpu.memory_space<vmem>>) offsets(%dma_start3A_384 : memref<128xi32, #tpu.memory_space<vmem>>) semaphore(%arg24 : memref<!tpu.dma_semaphore, #tpu.memory_space<semaphore_mem>>)
        } else {
        }
        %add3A_370 = arith.constant 4 : i32
        %add3A_371 = arith.addi %mul3A_256, %add3A_370 : i32
        %add3A_372 = arith.constant 3 : i32
        %add3A_373 = arith.addi %add3A_371, %add3A_372 : i32
        %lt3A_374 = arith.cmpi slt, %add3A_373, %sub3A_102 : i32
        %convert_element_type3A_375 = arith.extui %lt3A_374 : i1 to i32
        %cond3A_376 = arith.constant 0 : i32
        %cond3A_377 = arith.cmpi ne, %convert_element_type3A_375, %cond3A_376 : i32
        scf.if %cond3A_377 {
          %gt3A = arith.constant 0 : i32
          %gt3A_378 = arith.cmpi sgt, %while3A_253, %gt3A : i32
          %convert_element_type3A_379 = arith.extui %gt3A_378 : i1 to i32
          %cond3A_380 = arith.constant 0 : i32
          %cond3A_381 = arith.cmpi ne, %convert_element_type3A_379, %cond3A_380 : i32
          scf.if %cond3A_381 {
            %dma_wait3A_388 = arith.constant 0 : i32
            %dma_wait3A_389 = arith.constant 0 : i32
            %dma_wait3A_390 = tpu.memref_slice %arg9[%dma_wait3A_388, %dma_wait3A_389] : memref<84x128xi32, #tpu.memory_space<vmem>> -> memref<1x128xi32, #tpu.memory_space<vmem>>
            %dma_wait3A_391 = tpu.memref_squeeze %dma_wait3A_390 : memref<1x128xi32, #tpu.memory_space<vmem>> -> memref<128xi32, #tpu.memory_space<vmem>>
            %dma_wait3A_392 = arith.constant 0 : i32
            %dma_wait3A_393 = arith.constant 0 : i32
            %dma_wait3A_394 = tpu.memref_slice %arg7[%dma_wait3A_392, %dma_wait3A_393] : memref<10240x64xf32, #tpu.memory_space<vmem_shared>> -> memref<10240x64xf32, #tpu.memory_space<vmem_shared>>
            tpu.wait_indirect_dma semaphore(%arg33 : memref<!tpu.dma_semaphore, #tpu.memory_space<semaphore_mem>>) src(%arg17 : memref<128x64xf32, #tpu.memory_space<vmem>>) dst(%dma_wait3A_394 : memref<10240x64xf32, #tpu.memory_space<vmem_shared>>)
          } else {
          }
          %dma_start3A_382 = arith.constant 0 : i32
          %dma_start3A_383 = tpu.memref_slice %arg8[%add3A_373, %dma_start3A_382] : memref<84x128xi32, #tpu.memory_space<vmem>> -> memref<1x128xi32, #tpu.memory_space<vmem>>
          %dma_start3A_384 = tpu.memref_squeeze %dma_start3A_383 : memref<1x128xi32, #tpu.memory_space<vmem>> -> memref<128xi32, #tpu.memory_space<vmem>>
          %dma_start3A_385 = arith.constant 0 : i32
          %dma_start3A_386 = arith.constant 0 : i32
          %dma_start3A_387 = tpu.memref_slice %arg2[%dma_start3A_385, %dma_start3A_386] : memref<40000x64xf32, #tpu.memory_space<hbm>> -> memref<40000x64xf32, #tpu.memory_space<hbm>>
          tpu.enqueue_indirect_dma source(%dma_start3A_387 : memref<40000x64xf32, #tpu.memory_space<hbm>>) target(%arg17 : memref<128x64xf32, #tpu.memory_space<vmem>>) offsets(%dma_start3A_384 : memref<128xi32, #tpu.memory_space<vmem>>) semaphore(%arg25 : memref<!tpu.dma_semaphore, #tpu.memory_space<semaphore_mem>>)
        } else {
        }
      } else {
      }
      %not3A = arith.constant true
      %not3A_277 = arith.xori %eq3A_273, %not3A : i1
      %convert_element_type3A_278 = arith.extui %not3A_277 : i1 to i32
      %cond3A_279 = arith.constant 0 : i32
      %cond3A_280 = arith.cmpi ne, %convert_element_type3A_278, %cond3A_279 : i32
      scf.if %cond3A_280 {
        %add3A_282 = arith.constant 0 : i32
        %add3A_283 = arith.addi %mul3A_256, %add3A_282 : i32
        %dma_wait3A_284 = arith.constant 0 : i32
        %dma_wait3A_285 = tpu.memref_slice %arg8[%add3A_283, %dma_wait3A_284] : memref<84x128xi32, #tpu.memory_space<vmem>> -> memref<1x128xi32, #tpu.memory_space<vmem>>
        %dma_wait3A_286 = tpu.memref_squeeze %dma_wait3A_285 : memref<1x128xi32, #tpu.memory_space<vmem>> -> memref<128xi32, #tpu.memory_space<vmem>>
        %dma_wait3A_287 = arith.constant 0 : i32
        %dma_wait3A_288 = arith.constant 0 : i32
        %dma_wait3A_289 = tpu.memref_slice %arg2[%dma_wait3A_287, %dma_wait3A_288] : memref<40000x64xf32, #tpu.memory_space<hbm>> -> memref<40000x64xf32, #tpu.memory_space<hbm>>
        tpu.wait_indirect_dma semaphore(%arg22 : memref<!tpu.dma_semaphore, #tpu.memory_space<semaphore_mem>>) src(%dma_wait3A_289 : memref<40000x64xf32, #tpu.memory_space<hbm>>) dst(%arg14 : memref<128x64xf32, #tpu.memory_space<vmem>>)
        %add3A_290 = arith.constant 0 : i32
        %add3A_291 = arith.addi %mul3A_256, %add3A_290 : i32
        %dma_start3A_292 = arith.constant 0 : i32
        %dma_start3A_293 = tpu.memref_slice %arg9[%add3A_291, %dma_start3A_292] : memref<84x128xi32, #tpu.memory_space<vmem>> -> memref<1x128xi32, #tpu.memory_space<vmem>>
        %dma_start3A_294 = tpu.memref_squeeze %dma_start3A_293 : memref<1x128xi32, #tpu.memory_space<vmem>> -> memref<128xi32, #tpu.memory_space<vmem>>
        %dma_start3A_295 = arith.constant 0 : i32
        %dma_start3A_296 = arith.constant 0 : i32
        %dma_start3A_297 = tpu.memref_slice %arg7[%dma_start3A_295, %dma_start3A_296] : memref<10240x64xf32, #tpu.memory_space<vmem_shared>> -> memref<10240x64xf32, #tpu.memory_space<vmem_shared>>
        tpu.enqueue_indirect_dma source(%arg14 : memref<128x64xf32, #tpu.memory_space<vmem>>) target(%dma_start3A_297 : memref<10240x64xf32, #tpu.memory_space<vmem_shared>>) offsets(%dma_start3A_294 : memref<128xi32, #tpu.memory_space<vmem>>) semaphore(%arg30 : memref<!tpu.dma_semaphore, #tpu.memory_space<semaphore_mem>>) {add = true}
        %add3A_298 = arith.constant 1 : i32
        %add3A_299 = arith.addi %mul3A_256, %add3A_298 : i32
        %dma_wait3A_300 = arith.constant 0 : i32
        %dma_wait3A_301 = tpu.memref_slice %arg8[%add3A_299, %dma_wait3A_300] : memref<84x128xi32, #tpu.memory_space<vmem>> -> memref<1x128xi32, #tpu.memory_space<vmem>>
        %dma_wait3A_302 = tpu.memref_squeeze %dma_wait3A_301 : memref<1x128xi32, #tpu.memory_space<vmem>> -> memref<128xi32, #tpu.memory_space<vmem>>
        %dma_wait3A_303 = arith.constant 0 : i32
        %dma_wait3A_304 = arith.constant 0 : i32
        %dma_wait3A_305 = tpu.memref_slice %arg2[%dma_wait3A_303, %dma_wait3A_304] : memref<40000x64xf32, #tpu.memory_space<hbm>> -> memref<40000x64xf32, #tpu.memory_space<hbm>>
        tpu.wait_indirect_dma semaphore(%arg23 : memref<!tpu.dma_semaphore, #tpu.memory_space<semaphore_mem>>) src(%dma_wait3A_305 : memref<40000x64xf32, #tpu.memory_space<hbm>>) dst(%arg15 : memref<128x64xf32, #tpu.memory_space<vmem>>)
        %add3A_306 = arith.constant 1 : i32
        %add3A_307 = arith.addi %mul3A_256, %add3A_306 : i32
        %dma_start3A_308 = arith.constant 0 : i32
        %dma_start3A_309 = tpu.memref_slice %arg9[%add3A_307, %dma_start3A_308] : memref<84x128xi32, #tpu.memory_space<vmem>> -> memref<1x128xi32, #tpu.memory_space<vmem>>
        %dma_start3A_310 = tpu.memref_squeeze %dma_start3A_309 : memref<1x128xi32, #tpu.memory_space<vmem>> -> memref<128xi32, #tpu.memory_space<vmem>>
        %dma_start3A_311 = arith.constant 0 : i32
        %dma_start3A_312 = arith.constant 0 : i32
        %dma_start3A_313 = tpu.memref_slice %arg7[%dma_start3A_311, %dma_start3A_312] : memref<10240x64xf32, #tpu.memory_space<vmem_shared>> -> memref<10240x64xf32, #tpu.memory_space<vmem_shared>>
        tpu.enqueue_indirect_dma source(%arg15 : memref<128x64xf32, #tpu.memory_space<vmem>>) target(%dma_start3A_313 : memref<10240x64xf32, #tpu.memory_space<vmem_shared>>) offsets(%dma_start3A_310 : memref<128xi32, #tpu.memory_space<vmem>>) semaphore(%arg31 : memref<!tpu.dma_semaphore, #tpu.memory_space<semaphore_mem>>) {add = true}
        %add3A_314 = arith.constant 2 : i32
        %add3A_315 = arith.addi %mul3A_256, %add3A_314 : i32
        %dma_wait3A_316 = arith.constant 0 : i32
        %dma_wait3A_317 = tpu.memref_slice %arg8[%add3A_315, %dma_wait3A_316] : memref<84x128xi32, #tpu.memory_space<vmem>> -> memref<1x128xi32, #tpu.memory_space<vmem>>
        %dma_wait3A_318 = tpu.memref_squeeze %dma_wait3A_317 : memref<1x128xi32, #tpu.memory_space<vmem>> -> memref<128xi32, #tpu.memory_space<vmem>>
        %dma_wait3A_319 = arith.constant 0 : i32
        %dma_wait3A_320 = arith.constant 0 : i32
        %dma_wait3A_321 = tpu.memref_slice %arg2[%dma_wait3A_319, %dma_wait3A_320] : memref<40000x64xf32, #tpu.memory_space<hbm>> -> memref<40000x64xf32, #tpu.memory_space<hbm>>
        tpu.wait_indirect_dma semaphore(%arg24 : memref<!tpu.dma_semaphore, #tpu.memory_space<semaphore_mem>>) src(%dma_wait3A_321 : memref<40000x64xf32, #tpu.memory_space<hbm>>) dst(%arg16 : memref<128x64xf32, #tpu.memory_space<vmem>>)
        %add3A_322 = arith.constant 2 : i32
        %add3A_323 = arith.addi %mul3A_256, %add3A_322 : i32
        %dma_start3A_324 = arith.constant 0 : i32
        %dma_start3A_325 = tpu.memref_slice %arg9[%add3A_323, %dma_start3A_324] : memref<84x128xi32, #tpu.memory_space<vmem>> -> memref<1x128xi32, #tpu.memory_space<vmem>>
        %dma_start3A_326 = tpu.memref_squeeze %dma_start3A_325 : memref<1x128xi32, #tpu.memory_space<vmem>> -> memref<128xi32, #tpu.memory_space<vmem>>
        %dma_start3A_327 = arith.constant 0 : i32
        %dma_start3A_328 = arith.constant 0 : i32
        %dma_start3A_329 = tpu.memref_slice %arg7[%dma_start3A_327, %dma_start3A_328] : memref<10240x64xf32, #tpu.memory_space<vmem_shared>> -> memref<10240x64xf32, #tpu.memory_space<vmem_shared>>
        tpu.enqueue_indirect_dma source(%arg16 : memref<128x64xf32, #tpu.memory_space<vmem>>) target(%dma_start3A_329 : memref<10240x64xf32, #tpu.memory_space<vmem_shared>>) offsets(%dma_start3A_326 : memref<128xi32, #tpu.memory_space<vmem>>) semaphore(%arg32 : memref<!tpu.dma_semaphore, #tpu.memory_space<semaphore_mem>>) {add = true}
        %add3A_330 = arith.constant 3 : i32
        %add3A_331 = arith.addi %mul3A_256, %add3A_330 : i32
        %dma_wait3A_332 = arith.constant 0 : i32
        %dma_wait3A_333 = tpu.memref_slice %arg8[%add3A_331, %dma_wait3A_332] : memref<84x128xi32, #tpu.memory_space<vmem>> -> memref<1x128xi32, #tpu.memory_space<vmem>>
        %dma_wait3A_334 = tpu.memref_squeeze %dma_wait3A_333 : memref<1x128xi32, #tpu.memory_space<vmem>> -> memref<128xi32, #tpu.memory_space<vmem>>
        %dma_wait3A_335 = arith.constant 0 : i32
        %dma_wait3A_336 = arith.constant 0 : i32
        %dma_wait3A_337 = tpu.memref_slice %arg2[%dma_wait3A_335, %dma_wait3A_336] : memref<40000x64xf32, #tpu.memory_space<hbm>> -> memref<40000x64xf32, #tpu.memory_space<hbm>>
        tpu.wait_indirect_dma semaphore(%arg25 : memref<!tpu.dma_semaphore, #tpu.memory_space<semaphore_mem>>) src(%dma_wait3A_337 : memref<40000x64xf32, #tpu.memory_space<hbm>>) dst(%arg17 : memref<128x64xf32, #tpu.memory_space<vmem>>)
        %add3A_338 = arith.constant 3 : i32
        %add3A_339 = arith.addi %mul3A_256, %add3A_338 : i32
        %dma_start3A_340 = arith.constant 0 : i32
        %dma_start3A_341 = tpu.memref_slice %arg9[%add3A_339, %dma_start3A_340] : memref<84x128xi32, #tpu.memory_space<vmem>> -> memref<1x128xi32, #tpu.memory_space<vmem>>
        %dma_start3A_342 = tpu.memref_squeeze %dma_start3A_341 : memref<1x128xi32, #tpu.memory_space<vmem>> -> memref<128xi32, #tpu.memory_space<vmem>>
        %dma_start3A_343 = arith.constant 0 : i32
        %dma_start3A_344 = arith.constant 0 : i32
        %dma_start3A_345 = tpu.memref_slice %arg7[%dma_start3A_343, %dma_start3A_344] : memref<10240x64xf32, #tpu.memory_space<vmem_shared>> -> memref<10240x64xf32, #tpu.memory_space<vmem_shared>>
        tpu.enqueue_indirect_dma source(%arg17 : memref<128x64xf32, #tpu.memory_space<vmem>>) target(%dma_start3A_345 : memref<10240x64xf32, #tpu.memory_space<vmem_shared>>) offsets(%dma_start3A_342 : memref<128xi32, #tpu.memory_space<vmem>>) semaphore(%arg33 : memref<!tpu.dma_semaphore, #tpu.memory_space<semaphore_mem>>) {add = true}
        %add3A_346 = arith.constant 4 : i32
        %add3A_347 = arith.addi %mul3A_256, %add3A_346 : i32
        %add3A_348 = arith.constant 0 : i32
        %add3A_349 = arith.addi %add3A_347, %add3A_348 : i32
        %lt3A_350 = arith.cmpi slt, %add3A_349, %sub3A_102 : i32
        %convert_element_type3A_351 = arith.extui %lt3A_350 : i1 to i32
        %cond3A_352 = arith.constant 0 : i32
        %cond3A_353 = arith.cmpi ne, %convert_element_type3A_351, %cond3A_352 : i32
        scf.if %cond3A_353 {
          %gt3A = arith.constant 0 : i32
          %gt3A_378 = arith.cmpi sgt, %while3A_253, %gt3A : i32
          %convert_element_type3A_379 = arith.extui %gt3A_378 : i1 to i32
          %cond3A_380 = arith.constant 0 : i32
          %cond3A_381 = arith.cmpi ne, %convert_element_type3A_379, %cond3A_380 : i32
          scf.if %cond3A_381 {
            %dma_wait3A_388 = arith.constant 0 : i32
            %dma_wait3A_389 = arith.constant 0 : i32
            %dma_wait3A_390 = tpu.memref_slice %arg9[%dma_wait3A_388, %dma_wait3A_389] : memref<84x128xi32, #tpu.memory_space<vmem>> -> memref<1x128xi32, #tpu.memory_space<vmem>>
            %dma_wait3A_391 = tpu.memref_squeeze %dma_wait3A_390 : memref<1x128xi32, #tpu.memory_space<vmem>> -> memref<128xi32, #tpu.memory_space<vmem>>
            %dma_wait3A_392 = arith.constant 0 : i32
            %dma_wait3A_393 = arith.constant 0 : i32
            %dma_wait3A_394 = tpu.memref_slice %arg7[%dma_wait3A_392, %dma_wait3A_393] : memref<10240x64xf32, #tpu.memory_space<vmem_shared>> -> memref<10240x64xf32, #tpu.memory_space<vmem_shared>>
            tpu.wait_indirect_dma semaphore(%arg26 : memref<!tpu.dma_semaphore, #tpu.memory_space<semaphore_mem>>) src(%arg10 : memref<128x64xf32, #tpu.memory_space<vmem>>) dst(%dma_wait3A_394 : memref<10240x64xf32, #tpu.memory_space<vmem_shared>>)
          } else {
          }
          %dma_start3A_382 = arith.constant 0 : i32
          %dma_start3A_383 = tpu.memref_slice %arg8[%add3A_349, %dma_start3A_382] : memref<84x128xi32, #tpu.memory_space<vmem>> -> memref<1x128xi32, #tpu.memory_space<vmem>>
          %dma_start3A_384 = tpu.memref_squeeze %dma_start3A_383 : memref<1x128xi32, #tpu.memory_space<vmem>> -> memref<128xi32, #tpu.memory_space<vmem>>
          %dma_start3A_385 = arith.constant 0 : i32
          %dma_start3A_386 = arith.constant 0 : i32
          %dma_start3A_387 = tpu.memref_slice %arg2[%dma_start3A_385, %dma_start3A_386] : memref<40000x64xf32, #tpu.memory_space<hbm>> -> memref<40000x64xf32, #tpu.memory_space<hbm>>
          tpu.enqueue_indirect_dma source(%dma_start3A_387 : memref<40000x64xf32, #tpu.memory_space<hbm>>) target(%arg10 : memref<128x64xf32, #tpu.memory_space<vmem>>) offsets(%dma_start3A_384 : memref<128xi32, #tpu.memory_space<vmem>>) semaphore(%arg18 : memref<!tpu.dma_semaphore, #tpu.memory_space<semaphore_mem>>)
        } else {
        }
        %add3A_354 = arith.constant 4 : i32
        %add3A_355 = arith.addi %mul3A_256, %add3A_354 : i32
        %add3A_356 = arith.constant 1 : i32
        %add3A_357 = arith.addi %add3A_355, %add3A_356 : i32
        %lt3A_358 = arith.cmpi slt, %add3A_357, %sub3A_102 : i32
        %convert_element_type3A_359 = arith.extui %lt3A_358 : i1 to i32
        %cond3A_360 = arith.constant 0 : i32
        %cond3A_361 = arith.cmpi ne, %convert_element_type3A_359, %cond3A_360 : i32
        scf.if %cond3A_361 {
          %gt3A = arith.constant 0 : i32
          %gt3A_378 = arith.cmpi sgt, %while3A_253, %gt3A : i32
          %convert_element_type3A_379 = arith.extui %gt3A_378 : i1 to i32
          %cond3A_380 = arith.constant 0 : i32
          %cond3A_381 = arith.cmpi ne, %convert_element_type3A_379, %cond3A_380 : i32
          scf.if %cond3A_381 {
            %dma_wait3A_388 = arith.constant 0 : i32
            %dma_wait3A_389 = arith.constant 0 : i32
            %dma_wait3A_390 = tpu.memref_slice %arg9[%dma_wait3A_388, %dma_wait3A_389] : memref<84x128xi32, #tpu.memory_space<vmem>> -> memref<1x128xi32, #tpu.memory_space<vmem>>
            %dma_wait3A_391 = tpu.memref_squeeze %dma_wait3A_390 : memref<1x128xi32, #tpu.memory_space<vmem>> -> memref<128xi32, #tpu.memory_space<vmem>>
            %dma_wait3A_392 = arith.constant 0 : i32
            %dma_wait3A_393 = arith.constant 0 : i32
            %dma_wait3A_394 = tpu.memref_slice %arg7[%dma_wait3A_392, %dma_wait3A_393] : memref<10240x64xf32, #tpu.memory_space<vmem_shared>> -> memref<10240x64xf32, #tpu.memory_space<vmem_shared>>
            tpu.wait_indirect_dma semaphore(%arg27 : memref<!tpu.dma_semaphore, #tpu.memory_space<semaphore_mem>>) src(%arg11 : memref<128x64xf32, #tpu.memory_space<vmem>>) dst(%dma_wait3A_394 : memref<10240x64xf32, #tpu.memory_space<vmem_shared>>)
          } else {
          }
          %dma_start3A_382 = arith.constant 0 : i32
          %dma_start3A_383 = tpu.memref_slice %arg8[%add3A_357, %dma_start3A_382] : memref<84x128xi32, #tpu.memory_space<vmem>> -> memref<1x128xi32, #tpu.memory_space<vmem>>
          %dma_start3A_384 = tpu.memref_squeeze %dma_start3A_383 : memref<1x128xi32, #tpu.memory_space<vmem>> -> memref<128xi32, #tpu.memory_space<vmem>>
          %dma_start3A_385 = arith.constant 0 : i32
          %dma_start3A_386 = arith.constant 0 : i32
          %dma_start3A_387 = tpu.memref_slice %arg2[%dma_start3A_385, %dma_start3A_386] : memref<40000x64xf32, #tpu.memory_space<hbm>> -> memref<40000x64xf32, #tpu.memory_space<hbm>>
          tpu.enqueue_indirect_dma source(%dma_start3A_387 : memref<40000x64xf32, #tpu.memory_space<hbm>>) target(%arg11 : memref<128x64xf32, #tpu.memory_space<vmem>>) offsets(%dma_start3A_384 : memref<128xi32, #tpu.memory_space<vmem>>) semaphore(%arg19 : memref<!tpu.dma_semaphore, #tpu.memory_space<semaphore_mem>>)
        } else {
        }
        %add3A_362 = arith.constant 4 : i32
        %add3A_363 = arith.addi %mul3A_256, %add3A_362 : i32
        %add3A_364 = arith.constant 2 : i32
        %add3A_365 = arith.addi %add3A_363, %add3A_364 : i32
        %lt3A_366 = arith.cmpi slt, %add3A_365, %sub3A_102 : i32
        %convert_element_type3A_367 = arith.extui %lt3A_366 : i1 to i32
        %cond3A_368 = arith.constant 0 : i32
        %cond3A_369 = arith.cmpi ne, %convert_element_type3A_367, %cond3A_368 : i32
        scf.if %cond3A_369 {
          %gt3A = arith.constant 0 : i32
          %gt3A_378 = arith.cmpi sgt, %while3A_253, %gt3A : i32
          %convert_element_type3A_379 = arith.extui %gt3A_378 : i1 to i32
          %cond3A_380 = arith.constant 0 : i32
          %cond3A_381 = arith.cmpi ne, %convert_element_type3A_379, %cond3A_380 : i32
          scf.if %cond3A_381 {
            %dma_wait3A_388 = arith.constant 0 : i32
            %dma_wait3A_389 = arith.constant 0 : i32
            %dma_wait3A_390 = tpu.memref_slice %arg9[%dma_wait3A_388, %dma_wait3A_389] : memref<84x128xi32, #tpu.memory_space<vmem>> -> memref<1x128xi32, #tpu.memory_space<vmem>>
            %dma_wait3A_391 = tpu.memref_squeeze %dma_wait3A_390 : memref<1x128xi32, #tpu.memory_space<vmem>> -> memref<128xi32, #tpu.memory_space<vmem>>
            %dma_wait3A_392 = arith.constant 0 : i32
            %dma_wait3A_393 = arith.constant 0 : i32
            %dma_wait3A_394 = tpu.memref_slice %arg7[%dma_wait3A_392, %dma_wait3A_393] : memref<10240x64xf32, #tpu.memory_space<vmem_shared>> -> memref<10240x64xf32, #tpu.memory_space<vmem_shared>>
            tpu.wait_indirect_dma semaphore(%arg28 : memref<!tpu.dma_semaphore, #tpu.memory_space<semaphore_mem>>) src(%arg12 : memref<128x64xf32, #tpu.memory_space<vmem>>) dst(%dma_wait3A_394 : memref<10240x64xf32, #tpu.memory_space<vmem_shared>>)
          } else {
          }
          %dma_start3A_382 = arith.constant 0 : i32
          %dma_start3A_383 = tpu.memref_slice %arg8[%add3A_365, %dma_start3A_382] : memref<84x128xi32, #tpu.memory_space<vmem>> -> memref<1x128xi32, #tpu.memory_space<vmem>>
          %dma_start3A_384 = tpu.memref_squeeze %dma_start3A_383 : memref<1x128xi32, #tpu.memory_space<vmem>> -> memref<128xi32, #tpu.memory_space<vmem>>
          %dma_start3A_385 = arith.constant 0 : i32
          %dma_start3A_386 = arith.constant 0 : i32
          %dma_start3A_387 = tpu.memref_slice %arg2[%dma_start3A_385, %dma_start3A_386] : memref<40000x64xf32, #tpu.memory_space<hbm>> -> memref<40000x64xf32, #tpu.memory_space<hbm>>
          tpu.enqueue_indirect_dma source(%dma_start3A_387 : memref<40000x64xf32, #tpu.memory_space<hbm>>) target(%arg12 : memref<128x64xf32, #tpu.memory_space<vmem>>) offsets(%dma_start3A_384 : memref<128xi32, #tpu.memory_space<vmem>>) semaphore(%arg20 : memref<!tpu.dma_semaphore, #tpu.memory_space<semaphore_mem>>)
        } else {
        }
        %add3A_370 = arith.constant 4 : i32
        %add3A_371 = arith.addi %mul3A_256, %add3A_370 : i32
        %add3A_372 = arith.constant 3 : i32
        %add3A_373 = arith.addi %add3A_371, %add3A_372 : i32
        %lt3A_374 = arith.cmpi slt, %add3A_373, %sub3A_102 : i32
        %convert_element_type3A_375 = arith.extui %lt3A_374 : i1 to i32
        %cond3A_376 = arith.constant 0 : i32
        %cond3A_377 = arith.cmpi ne, %convert_element_type3A_375, %cond3A_376 : i32
        scf.if %cond3A_377 {
          %gt3A = arith.constant 0 : i32
          %gt3A_378 = arith.cmpi sgt, %while3A_253, %gt3A : i32
          %convert_element_type3A_379 = arith.extui %gt3A_378 : i1 to i32
          %cond3A_380 = arith.constant 0 : i32
          %cond3A_381 = arith.cmpi ne, %convert_element_type3A_379, %cond3A_380 : i32
          scf.if %cond3A_381 {
            %dma_wait3A_388 = arith.constant 0 : i32
            %dma_wait3A_389 = arith.constant 0 : i32
            %dma_wait3A_390 = tpu.memref_slice %arg9[%dma_wait3A_388, %dma_wait3A_389] : memref<84x128xi32, #tpu.memory_space<vmem>> -> memref<1x128xi32, #tpu.memory_space<vmem>>
            %dma_wait3A_391 = tpu.memref_squeeze %dma_wait3A_390 : memref<1x128xi32, #tpu.memory_space<vmem>> -> memref<128xi32, #tpu.memory_space<vmem>>
            %dma_wait3A_392 = arith.constant 0 : i32
            %dma_wait3A_393 = arith.constant 0 : i32
            %dma_wait3A_394 = tpu.memref_slice %arg7[%dma_wait3A_392, %dma_wait3A_393] : memref<10240x64xf32, #tpu.memory_space<vmem_shared>> -> memref<10240x64xf32, #tpu.memory_space<vmem_shared>>
            tpu.wait_indirect_dma semaphore(%arg29 : memref<!tpu.dma_semaphore, #tpu.memory_space<semaphore_mem>>) src(%arg13 : memref<128x64xf32, #tpu.memory_space<vmem>>) dst(%dma_wait3A_394 : memref<10240x64xf32, #tpu.memory_space<vmem_shared>>)
          } else {
          }
          %dma_start3A_382 = arith.constant 0 : i32
          %dma_start3A_383 = tpu.memref_slice %arg8[%add3A_373, %dma_start3A_382] : memref<84x128xi32, #tpu.memory_space<vmem>> -> memref<1x128xi32, #tpu.memory_space<vmem>>
          %dma_start3A_384 = tpu.memref_squeeze %dma_start3A_383 : memref<1x128xi32, #tpu.memory_space<vmem>> -> memref<128xi32, #tpu.memory_space<vmem>>
          %dma_start3A_385 = arith.constant 0 : i32
          %dma_start3A_386 = arith.constant 0 : i32
          %dma_start3A_387 = tpu.memref_slice %arg2[%dma_start3A_385, %dma_start3A_386] : memref<40000x64xf32, #tpu.memory_space<hbm>> -> memref<40000x64xf32, #tpu.memory_space<hbm>>
          tpu.enqueue_indirect_dma source(%dma_start3A_387 : memref<40000x64xf32, #tpu.memory_space<hbm>>) target(%arg13 : memref<128x64xf32, #tpu.memory_space<vmem>>) offsets(%dma_start3A_384 : memref<128xi32, #tpu.memory_space<vmem>>) semaphore(%arg21 : memref<!tpu.dma_semaphore, #tpu.memory_space<semaphore_mem>>)
        } else {
        }
      } else {
      }
      %while3A_281 = arith.constant 0 : i32
      scf.yield %while3A_281 : i32
    }
    %dma_wait3A = arith.constant 0 : i32
    %dma_wait3A_195 = arith.constant 0 : i32
    %dma_wait3A_196 = tpu.memref_slice %arg9[%dma_wait3A, %dma_wait3A_195] : memref<84x128xi32, #tpu.memory_space<vmem>> -> memref<1x128xi32, #tpu.memory_space<vmem>>
    %dma_wait3A_197 = tpu.memref_squeeze %dma_wait3A_196 : memref<1x128xi32, #tpu.memory_space<vmem>> -> memref<128xi32, #tpu.memory_space<vmem>>
    %dma_wait3A_198 = arith.constant 0 : i32
    %dma_wait3A_199 = arith.constant 0 : i32
    %dma_wait3A_200 = tpu.memref_slice %arg7[%dma_wait3A_198, %dma_wait3A_199] : memref<10240x64xf32, #tpu.memory_space<vmem_shared>> -> memref<10240x64xf32, #tpu.memory_space<vmem_shared>>
    tpu.wait_indirect_dma semaphore(%arg26 : memref<!tpu.dma_semaphore, #tpu.memory_space<semaphore_mem>>) src(%arg10 : memref<128x64xf32, #tpu.memory_space<vmem>>) dst(%dma_wait3A_200 : memref<10240x64xf32, #tpu.memory_space<vmem_shared>>)
    %dma_wait3A_201 = arith.constant 0 : i32
    %dma_wait3A_202 = arith.constant 0 : i32
    %dma_wait3A_203 = tpu.memref_slice %arg9[%dma_wait3A_201, %dma_wait3A_202] : memref<84x128xi32, #tpu.memory_space<vmem>> -> memref<1x128xi32, #tpu.memory_space<vmem>>
    %dma_wait3A_204 = tpu.memref_squeeze %dma_wait3A_203 : memref<1x128xi32, #tpu.memory_space<vmem>> -> memref<128xi32, #tpu.memory_space<vmem>>
    %dma_wait3A_205 = arith.constant 0 : i32
    %dma_wait3A_206 = arith.constant 0 : i32
    %dma_wait3A_207 = tpu.memref_slice %arg7[%dma_wait3A_205, %dma_wait3A_206] : memref<10240x64xf32, #tpu.memory_space<vmem_shared>> -> memref<10240x64xf32, #tpu.memory_space<vmem_shared>>
    tpu.wait_indirect_dma semaphore(%arg27 : memref<!tpu.dma_semaphore, #tpu.memory_space<semaphore_mem>>) src(%arg11 : memref<128x64xf32, #tpu.memory_space<vmem>>) dst(%dma_wait3A_207 : memref<10240x64xf32, #tpu.memory_space<vmem_shared>>)
    %dma_wait3A_208 = arith.constant 0 : i32
    %dma_wait3A_209 = arith.constant 0 : i32
    %dma_wait3A_210 = tpu.memref_slice %arg9[%dma_wait3A_208, %dma_wait3A_209] : memref<84x128xi32, #tpu.memory_space<vmem>> -> memref<1x128xi32, #tpu.memory_space<vmem>>
    %dma_wait3A_211 = tpu.memref_squeeze %dma_wait3A_210 : memref<1x128xi32, #tpu.memory_space<vmem>> -> memref<128xi32, #tpu.memory_space<vmem>>
    %dma_wait3A_212 = arith.constant 0 : i32
    %dma_wait3A_213 = arith.constant 0 : i32
    %dma_wait3A_214 = tpu.memref_slice %arg7[%dma_wait3A_212, %dma_wait3A_213] : memref<10240x64xf32, #tpu.memory_space<vmem_shared>> -> memref<10240x64xf32, #tpu.memory_space<vmem_shared>>
    tpu.wait_indirect_dma semaphore(%arg28 : memref<!tpu.dma_semaphore, #tpu.memory_space<semaphore_mem>>) src(%arg12 : memref<128x64xf32, #tpu.memory_space<vmem>>) dst(%dma_wait3A_214 : memref<10240x64xf32, #tpu.memory_space<vmem_shared>>)
    %dma_wait3A_215 = arith.constant 0 : i32
    %dma_wait3A_216 = arith.constant 0 : i32
    %dma_wait3A_217 = tpu.memref_slice %arg9[%dma_wait3A_215, %dma_wait3A_216] : memref<84x128xi32, #tpu.memory_space<vmem>> -> memref<1x128xi32, #tpu.memory_space<vmem>>
    %dma_wait3A_218 = tpu.memref_squeeze %dma_wait3A_217 : memref<1x128xi32, #tpu.memory_space<vmem>> -> memref<128xi32, #tpu.memory_space<vmem>>
    %dma_wait3A_219 = arith.constant 0 : i32
    %dma_wait3A_220 = arith.constant 0 : i32
    %dma_wait3A_221 = tpu.memref_slice %arg7[%dma_wait3A_219, %dma_wait3A_220] : memref<10240x64xf32, #tpu.memory_space<vmem_shared>> -> memref<10240x64xf32, #tpu.memory_space<vmem_shared>>
    tpu.wait_indirect_dma semaphore(%arg29 : memref<!tpu.dma_semaphore, #tpu.memory_space<semaphore_mem>>) src(%arg13 : memref<128x64xf32, #tpu.memory_space<vmem>>) dst(%dma_wait3A_221 : memref<10240x64xf32, #tpu.memory_space<vmem_shared>>)
    %dma_wait3A_222 = arith.constant 0 : i32
    %dma_wait3A_223 = arith.constant 0 : i32
    %dma_wait3A_224 = tpu.memref_slice %arg9[%dma_wait3A_222, %dma_wait3A_223] : memref<84x128xi32, #tpu.memory_space<vmem>> -> memref<1x128xi32, #tpu.memory_space<vmem>>
    %dma_wait3A_225 = tpu.memref_squeeze %dma_wait3A_224 : memref<1x128xi32, #tpu.memory_space<vmem>> -> memref<128xi32, #tpu.memory_space<vmem>>
    %dma_wait3A_226 = arith.constant 0 : i32
    %dma_wait3A_227 = arith.constant 0 : i32
    %dma_wait3A_228 = tpu.memref_slice %arg7[%dma_wait3A_226, %dma_wait3A_227] : memref<10240x64xf32, #tpu.memory_space<vmem_shared>> -> memref<10240x64xf32, #tpu.memory_space<vmem_shared>>
    tpu.wait_indirect_dma semaphore(%arg30 : memref<!tpu.dma_semaphore, #tpu.memory_space<semaphore_mem>>) src(%arg14 : memref<128x64xf32, #tpu.memory_space<vmem>>) dst(%dma_wait3A_228 : memref<10240x64xf32, #tpu.memory_space<vmem_shared>>)
    %dma_wait3A_229 = arith.constant 0 : i32
    %dma_wait3A_230 = arith.constant 0 : i32
    %dma_wait3A_231 = tpu.memref_slice %arg9[%dma_wait3A_229, %dma_wait3A_230] : memref<84x128xi32, #tpu.memory_space<vmem>> -> memref<1x128xi32, #tpu.memory_space<vmem>>
    %dma_wait3A_232 = tpu.memref_squeeze %dma_wait3A_231 : memref<1x128xi32, #tpu.memory_space<vmem>> -> memref<128xi32, #tpu.memory_space<vmem>>
    %dma_wait3A_233 = arith.constant 0 : i32
    %dma_wait3A_234 = arith.constant 0 : i32
    %dma_wait3A_235 = tpu.memref_slice %arg7[%dma_wait3A_233, %dma_wait3A_234] : memref<10240x64xf32, #tpu.memory_space<vmem_shared>> -> memref<10240x64xf32, #tpu.memory_space<vmem_shared>>
    tpu.wait_indirect_dma semaphore(%arg31 : memref<!tpu.dma_semaphore, #tpu.memory_space<semaphore_mem>>) src(%arg15 : memref<128x64xf32, #tpu.memory_space<vmem>>) dst(%dma_wait3A_235 : memref<10240x64xf32, #tpu.memory_space<vmem_shared>>)
    %dma_wait3A_236 = arith.constant 0 : i32
    %dma_wait3A_237 = arith.constant 0 : i32
    %dma_wait3A_238 = tpu.memref_slice %arg9[%dma_wait3A_236, %dma_wait3A_237] : memref<84x128xi32, #tpu.memory_space<vmem>> -> memref<1x128xi32, #tpu.memory_space<vmem>>
    %dma_wait3A_239 = tpu.memref_squeeze %dma_wait3A_238 : memref<1x128xi32, #tpu.memory_space<vmem>> -> memref<128xi32, #tpu.memory_space<vmem>>
    %dma_wait3A_240 = arith.constant 0 : i32
    %dma_wait3A_241 = arith.constant 0 : i32
    %dma_wait3A_242 = tpu.memref_slice %arg7[%dma_wait3A_240, %dma_wait3A_241] : memref<10240x64xf32, #tpu.memory_space<vmem_shared>> -> memref<10240x64xf32, #tpu.memory_space<vmem_shared>>
    tpu.wait_indirect_dma semaphore(%arg32 : memref<!tpu.dma_semaphore, #tpu.memory_space<semaphore_mem>>) src(%arg16 : memref<128x64xf32, #tpu.memory_space<vmem>>) dst(%dma_wait3A_242 : memref<10240x64xf32, #tpu.memory_space<vmem_shared>>)
    %dma_wait3A_243 = arith.constant 0 : i32
    %dma_wait3A_244 = arith.constant 0 : i32
    %dma_wait3A_245 = tpu.memref_slice %arg9[%dma_wait3A_243, %dma_wait3A_244] : memref<84x128xi32, #tpu.memory_space<vmem>> -> memref<1x128xi32, #tpu.memory_space<vmem>>
    %dma_wait3A_246 = tpu.memref_squeeze %dma_wait3A_245 : memref<1x128xi32, #tpu.memory_space<vmem>> -> memref<128xi32, #tpu.memory_space<vmem>>
    %dma_wait3A_247 = arith.constant 0 : i32
    %dma_wait3A_248 = arith.constant 0 : i32
    %dma_wait3A_249 = tpu.memref_slice %arg7[%dma_wait3A_247, %dma_wait3A_248] : memref<10240x64xf32, #tpu.memory_space<vmem_shared>> -> memref<10240x64xf32, #tpu.memory_space<vmem_shared>>
    tpu.wait_indirect_dma semaphore(%arg33 : memref<!tpu.dma_semaphore, #tpu.memory_space<semaphore_mem>>) src(%arg17 : memref<128x64xf32, #tpu.memory_space<vmem>>) dst(%dma_wait3A_249 : memref<10240x64xf32, #tpu.memory_space<vmem_shared>>)
    %barrier3A_250 = arith.constant 0 : index
    tpu.barrier barrier_id(%barrier3A_250)
    %mul3A_251 = arith.constant 640 : i32
    %mul3A_252 = arith.muli %arg1, %mul3A_251 : i32
    "tpu.region"() ({
      %run_scoped3A = tpu.sem_alloc : memref<!tpu.dma_semaphore, #tpu.memory_space<semaphore_mem>>
      %dma_start3A_253 = arith.constant 0 : i32
      %dma_start3A_254 = tpu.memref_slice %arg6[%arg0, %mul3A_252, %dma_start3A_253] : memref<2x10240x64xf32, #tpu.memory_space<hbm>> -> memref<1x640x64xf32, #tpu.memory_space<hbm>>
      %dma_start3A_255 = tpu.memref_squeeze %dma_start3A_254 : memref<1x640x64xf32, #tpu.memory_space<hbm>> -> memref<640x64xf32, #tpu.memory_space<hbm>>
      %dma_start3A_256 = arith.constant 0 : i32
      %dma_start3A_257 = tpu.memref_slice %arg7[%mul3A_252, %dma_start3A_256] : memref<10240x64xf32, #tpu.memory_space<vmem_shared>> -> memref<640x64xf32, #tpu.memory_space<vmem_shared>>
      tpu.enqueue_dma source(%dma_start3A_257 : memref<640x64xf32, #tpu.memory_space<vmem_shared>>) target(%dma_start3A_255 : memref<640x64xf32, #tpu.memory_space<hbm>>) target_semaphore(%run_scoped3A : memref<!tpu.dma_semaphore, #tpu.memory_space<semaphore_mem>>)
      %dma_wait3A_258 = arith.constant 0 : i32
      %dma_wait3A_259 = tpu.memref_slice %arg6[%arg0, %mul3A_252, %dma_wait3A_258] : memref<2x10240x64xf32, #tpu.memory_space<hbm>> -> memref<1x640x64xf32, #tpu.memory_space<hbm>>
      %dma_wait3A_260 = tpu.memref_squeeze %dma_wait3A_259 : memref<1x640x64xf32, #tpu.memory_space<hbm>> -> memref<640x64xf32, #tpu.memory_space<hbm>>
      %dma_wait3A_261 = arith.constant 0 : i32
      %dma_wait3A_262 = tpu.memref_slice %arg7[%mul3A_252, %dma_wait3A_261] : memref<10240x64xf32, #tpu.memory_space<vmem_shared>> -> memref<640x64xf32, #tpu.memory_space<vmem_shared>>
      tpu.wait_dma2 semaphore(%run_scoped3A : memref<!tpu.dma_semaphore, #tpu.memory_space<semaphore_mem>>) src(%dma_wait3A_262 : memref<640x64xf32, #tpu.memory_space<vmem_shared>>) dst(%dma_wait3A_260 : memref<640x64xf32, #tpu.memory_space<hbm>>)
      tpu.yield
    }) : () -> ()
    return
  }
}

module attributes {stable_mosaic.version = 14 : i64} {
  func.func @_rel_matmul_body(%arg0: i32, %arg1: memref<32x10000xf32, #tpu.memory_space<vmem>>, %arg2: memref<10000x128xf32, #tpu.memory_space<vmem>>, %arg3: memref<1x128x64xf32, #tpu.memory_space<vmem>>, %arg4: memref<10000x64xf32, #tpu.memory_space<vmem>>) attributes {dimension_semantics = [#tpu.dimension_semantics<arbitrary>], iteration_bounds = array<i64: 4>, scalar_prefetch = 0 : i64, scratch_operands = 0 : i64, tpu.core_type = #tpu.core_type<tc>, window_params = [{pipeline_mode = #tpu.pipeline_mode<synchronous>, transform_indices = @transform_0, window_bounds = array<i64: 32, 10000>}, {pipeline_mode = #tpu.pipeline_mode<synchronous>, transform_indices = @transform_1, window_bounds = array<i64: 10000, 128>}, {transform_indices = @transform_2, window_bounds = array<i64: 1, 128, 64>}, {transform_indices = @transform_3, window_bounds = array<i64: 10000, 64>}]} {
    %get3A = arith.constant 0 : index
    %get3A_0 = arith.constant 0 : index
    %get3A_1 = vector.load %arg1[%get3A, %get3A_0] : memref<32x10000xf32, #tpu.memory_space<vmem>>, vector<32x10000xf32>
    %broadcast_in_dim3A = arith.constant 1.000000e+00 : f32
    %broadcast_in_dim3A_2 = vector.broadcast %broadcast_in_dim3A : f32 to vector<32x1xf32>
    %dot_general3A = arith.constant dense<0.000000e+00> : vector<10000x1xf32>
    %dot_general3A_3 = tpu.matmul %get3A_1, %broadcast_in_dim3A_2, %dot_general3A {dimension_numbers = #tpu.dot_dimension_numbers<[0], [0], [1], [1], [0, 1, 1, 1], [], []>, transpose_lhs_hint = false} : vector<32x10000xf32>, vector<32x1xf32>, vector<10000x1xf32> -> vector<10000x1xf32>
    %max3A = arith.constant 1.000000e+00 : f32
    %max3A_4 = vector.broadcast %max3A : f32 to vector<10000x1xf32>
    %max3A_5 = arith.maximumf %dot_general3A_3, %max3A_4 : vector<10000x1xf32>
    %rsqrt3A = math.rsqrt %max3A_5 : vector<10000x1xf32>
    %get3A_6 = arith.constant 0 : index
    %get3A_7 = arith.constant 0 : index
    %get3A_8 = vector.load %arg2[%get3A_6, %get3A_7] : memref<10000x128xf32, #tpu.memory_space<vmem>>, vector<10000x128xf32>
    %mul3A = vector.broadcast %rsqrt3A : vector<10000x1xf32> to vector<10000x128xf32>
    %mul3A_9 = arith.mulf %get3A_8, %mul3A : vector<10000x128xf32>
    %get3A_10 = arith.constant 0 : index
    %get3A_11 = arith.constant 0 : index
    %get3A_12 = arith.constant 0 : index
    %get3A_13 = vector.load %arg3[%get3A_10, %get3A_11, %get3A_12] : memref<1x128x64xf32, #tpu.memory_space<vmem>>, vector<1x128x64xf32>
    %get3A_14 = vector.shape_cast %get3A_13 : vector<1x128x64xf32> to vector<128x64xf32>
    %dot_general3A_15 = arith.constant dense<0.000000e+00> : vector<10000x64xf32>
    %dot_general3A_16 = tpu.matmul %mul3A_9, %get3A_14, %dot_general3A_15 {dimension_numbers = #tpu.dot_dimension_numbers<[1], [0], [0], [1], [0, 0, 1, 1], [], []>, transpose_lhs_hint = false} : vector<10000x128xf32>, vector<128x64xf32>, vector<10000x64xf32> -> vector<10000x64xf32>
    %swap3A = arith.constant 0 : index
    %swap3A_17 = arith.constant 0 : index
    %swap3A_18 = vector.load %arg4[%swap3A, %swap3A_17] : memref<10000x64xf32, #tpu.memory_space<vmem>>, vector<10000x64xf32>
    tpu.vector_store %arg4[%swap3A, %swap3A_17], %dot_general3A_16 {strides = array<i32>} : memref<10000x64xf32, #tpu.memory_space<vmem>>, vector<10000x64xf32>,
    return
  }
  func.func @transform_0(%arg0: i32) -> (i32, i32) {
    %c0_i32 = arith.constant 0 : i32
    %c0_i32_0 = arith.constant 0 : i32
    %c0_i32_1 = arith.constant 0 : i32
    return %c0_i32, %c0_i32_0 : i32, i32
  }
  func.func @transform_1(%arg0: i32) -> (i32, i32) {
    %c0_i32 = arith.constant 0 : i32
    %c0_i32_0 = arith.constant 0 : i32
    %c0_i32_1 = arith.constant 0 : i32
    return %c0_i32, %c0_i32_0 : i32, i32
  }
  func.func @transform_2(%arg0: i32) -> (i32, i32, i32) {
    %c0_i32 = arith.constant 0 : i32
    %c0_i32_0 = arith.constant 0 : i32
    %c0_i32_1 = arith.constant 0 : i32
    return %arg0, %c0_i32, %c0_i32_0 : i32, i32, i32
  }
  func.func @transform_3(%arg0: i32) -> (i32, i32) {
    %c0_i32 = arith.constant 0 : i32
    %c0_i32_0 = arith.constant 0 : i32
    return %arg0, %c0_i32 : i32, i32
  }
}

module attributes {stable_mosaic.version = 14 : i64} {
  func.func @_finalize_body(%arg0: memref<2x10240x64xf32, #tpu.memory_space<vmem>>, %arg1: memref<32x10000xf32, #tpu.memory_space<vmem>>, %arg2: memref<1xi32, #tpu.memory_space<smem>>, %arg3: memref<64x64xf32, #tpu.memory_space<vmem>>, %arg4: memref<1x64xf32, #tpu.memory_space<vmem>>, %arg5: memref<1x64xf32, #tpu.memory_space<vmem>>) attributes {dimension_semantics = [], scalar_prefetch = 0 : i64, scratch_operands = 0 : i64, tpu.core_type = #tpu.core_type<tc>} {
    %get3A = arith.constant 0 : index
    %get3A_0 = arith.constant 0 : index
    %get3A_1 = vector.load %arg1[%get3A, %get3A_0] : memref<32x10000xf32, #tpu.memory_space<vmem>>, vector<32x10000xf32>
    %reduce_sum3A = arith.constant dense<0.000000e+00> : vector<10000xf32>
    %reduce_sum3A_2 = vector.multi_reduction <add>, %get3A_1, %reduce_sum3A [0] : vector<32x10000xf32> to vector<10000xf32>
    %max3A = arith.constant 1.000000e+00 : f32
    %max3A_3 = vector.broadcast %max3A : f32 to vector<10000xf32>
    %max3A_4 = arith.maximumf %reduce_sum3A_2, %max3A_3 : vector<10000xf32>
    %rsqrt3A = math.rsqrt %max3A_4 : vector<10000xf32>
    %broadcast_in_dim3A = arith.constant 0.000000e+00 : f32
    %broadcast_in_dim3A_5 = vector.broadcast %broadcast_in_dim3A : f32 to vector<240xf32>
    %concatenate3A = tpu.concatenate %rsqrt3A, %broadcast_in_dim3A_5 in 0 : vector<10000xf32>, vector<240xf32> -> vector<10240xf32>
    %reshape3A = vector.shape_cast %concatenate3A : vector<10240xf32> to vector<1x10240xf32>
    %get3A_6 = arith.constant 0 : index
    %get3A_7 = arith.constant 0 : index
    %get3A_8 = arith.constant 0 : index
    %get3A_9 = vector.load %arg0[%get3A_6, %get3A_7, %get3A_8] : memref<2x10240x64xf32, #tpu.memory_space<vmem>>, vector<1x10240x64xf32>
    %get3A_10 = vector.shape_cast %get3A_9 : vector<1x10240x64xf32> to vector<10240x64xf32>
    %get3A_11 = arith.constant 1 : index
    %get3A_12 = arith.constant 0 : index
    %get3A_13 = arith.constant 0 : index
    %get3A_14 = vector.load %arg0[%get3A_11, %get3A_12, %get3A_13] : memref<2x10240x64xf32, #tpu.memory_space<vmem>>, vector<1x10240x64xf32>
    %get3A_15 = vector.shape_cast %get3A_14 : vector<1x10240x64xf32> to vector<10240x64xf32>
    %add3A = arith.addf %get3A_10, %get3A_15 : vector<10240x64xf32>
    %max3A_16 = arith.constant 0.000000e+00 : f32
    %max3A_17 = vector.broadcast %max3A_16 : f32 to vector<10240x64xf32>
    %max3A_18 = arith.maximumf %add3A, %max3A_17 : vector<10240x64xf32>
    %dot_general3A = arith.constant dense<0.000000e+00> : vector<1x64xf32>
    %dot_general3A_19 = tpu.matmul %reshape3A, %max3A_18, %dot_general3A {dimension_numbers = #tpu.dot_dimension_numbers<[1], [0], [0], [1], [0, 0, 1, 1], [], []>, transpose_lhs_hint = false} : vector<1x10240xf32>, vector<10240x64xf32>, vector<1x64xf32> -> vector<1x64xf32>
    %get3A_20 = arith.constant 0 : index
    %get3A_21 = memref.load %arg2[%get3A_20] : memref<1xi32, #tpu.memory_space<smem>>
    %convert_element_type3A = arith.sitofp %get3A_21 : i32 to f32
    %max3A_22 = arith.constant 1.000000e+00 : f32
    %max3A_23 = arith.maximumf %convert_element_type3A, %max3A_22 : f32
    %div3A = vector.broadcast %max3A_23 : f32 to vector<1x64xf32>
    %div3A_24 = arith.divf %dot_general3A_19, %div3A : vector<1x64xf32>
    %get3A_25 = arith.constant 0 : index
    %get3A_26 = arith.constant 0 : index
    %get3A_27 = vector.load %arg3[%get3A_25, %get3A_26] : memref<64x64xf32, #tpu.memory_space<vmem>>, vector<64x64xf32>
    %dot_general3A_28 = arith.constant dense<0.000000e+00> : vector<1x64xf32>
    %dot_general3A_29 = tpu.matmul %div3A_24, %get3A_27, %dot_general3A_28 {dimension_numbers = #tpu.dot_dimension_numbers<[1], [0], [0], [1], [0, 0, 1, 1], [], []>, transpose_lhs_hint = false} : vector<1x64xf32>, vector<64x64xf32>, vector<1x64xf32> -> vector<1x64xf32>
    %get3A_30 = arith.constant 0 : index
    %get3A_31 = arith.constant 0 : index
    %get3A_32 = vector.load %arg4[%get3A_30, %get3A_31] : memref<1x64xf32, #tpu.memory_space<vmem>>, vector<1x64xf32>
    %add3A_33 = arith.addf %dot_general3A_29, %get3A_32 : vector<1x64xf32>
    %swap3A = arith.constant 0 : index
    %swap3A_34 = arith.constant 0 : index
    %swap3A_35 = vector.load %arg5[%swap3A, %swap3A_34] : memref<1x64xf32, #tpu.memory_space<vmem>>, vector<1x64xf32>
    tpu.vector_store %arg5[%swap3A, %swap3A_34], %add3A_33 {strides = array<i32>} : memref<1x64xf32, #tpu.memory_space<vmem>>, vector<1x64xf32>,
    return
  }
}

</mosaic_0001>

<sc_bundles>
// kernel: kernel.6.cloned.1.call-start
scs
__scs_entry_jumppad:
0x0: {  	(pc) =	sbr.rel $0x88, $3  }
0x1: {  	(tag) =	ssettag $0x0;
	lr =	simm.s32 $0x1  }
0x2: {  	[smem:$0x3F99] =	sst lr;
	_ =	strace $0xD0000000  }
0x3: {  	_ = 	snop  }
0x4: {  	_ = 	snop  }
0x5: {  	_ = 	snop  }
0x6: {  	_ = 	snop  }
0x7: {  	_ = 	snop  }
__scs_overlays_trampoline_lowered:
0x8: {  	[smem:$0x3FA8] =	sst s0  }
0x9: {  	[smem:$0x3FA9] =	sst s1  }
0xa: {  	[smem:$0x3FAA] =	sst s2  }
0xb: {  	[smem:$0x3FAB] =	sst s3  }
0xc: {  	[smem:$0x3FAC] =	sst s4  }
0xd: {  	[smem:$0x3FAD] =	sst s5  }
0xe: {  	[smem:$0x3FAE] =	sst s6  }
0xf: {  	[smem:$0x3FAF] =	sst s7  }
0x10: {  	[smem:$0x3FB0] =	sst s8  }
0x11: {  	[smem:$0x3FB1] =	sst s9;
	s0 =	simm.s32 @!p0 $0x0  }
0x12: {  	s1 =	sld [smem:$0x3F97];
	s0 =	simm.s32 @p0 $0x1  }
0x13: {  	[smem:$0x3FB2] =	sst s0;
	s0 =	simm.s32 @!p1 $0x0  }
0x14: {  	s2 =	sld [smem:$0x3F96];
	s0 =	simm.s32 @p1 $0x1  }
0x15: {  	[smem:$0x3FB3] =	sst s0;
	s0 =	simm.s32 @!p2 $0x0  }
0x16: {  	s3 =	sld [smem:$0x3FDB];
	s0 =	simm.s32 @p2 $0x1  }
0x17: {  	s4 =	simm.s32 $0x1BF5;
	[smem:$0x3FB5] =	sst s0  }
0x18: {  	s0 =	sld [smem:$0x3F98];
	_ =	swait.ge [sflag:s4], $0x0  }
0x19: {  	s7 =	sld [smem:$0x3F99]  }
0x1a: {  	s8 =	sadd.s32 $0xFFFFE003, lr  }
0x1b: {  	s9 =	sadd.s32 $0xFFFFFEF7, lr;
	s5 =	simm.s32 $0xFFFFFFFF;
	p2 =	slt.u32 s8, $0xFFFFF086  }
0x1c: {  	p1 =	slt.u32 s9, $0xF7A;
	s5 =	simm.s32 @!p2 $0x0  }
0x1d: {  	s5 =	simm.s32 @p1 $0x1;
	p0 =	seq.s32 s7, s2  }
0x1e: {  	s7 =	smul.u32 @!p0 $0xF7A, s2;
	p2 =	seq.s32 @!p0 s5, $0x0  }
0x1f: {  	s9 =	smul.u32 $0xF7A, s1;
	s8 =	simm.s32 @!p0 $0x1BF5;
	p2 =	por !p2, p0  }
0x20: {  	[sflag:s8] =	ssyncset.s32 @!p0 $0xFFFFF086;
	s6 =	sadd.s32 @!p0 s3, s7;
	s7 =	simm.s32 @!p0 $0x108  }
0x21: {  	s3 =	sadd.s32 s3, s9;
	s6 =	sadd.s32 @!p0 $0x88, s6;
	s7 =	simm.s32 @p2 $0x1082  }
0x22: {  	[simem:s7], [sflag:s8] =	dma.local @!p0 [hbm:s6], $0xF7A  }
0x23: {  	s9 =	sor.u32 $0xD0000000, s2;
	s6 =	simm.s32 $0x108;
	_ =	swait.ge @!p0 [sflag:s8], $0x0  }
0x24: {  	s3 =	sadd.s32 $0x88, s3;
	s6 =	simm.s32 @!p1 $0x1082;
	[sflag:s4] =	ssyncset.s32 $0xFFFFF086  }
0x25: {  	[simem:s6], [sflag:s4] =	dma.local [hbm:s3], $0xF7A  }
0x26: {  	[smem:$0x3F99] =	sst s1;
	(tag) =	ssettag s2;
	_ =	strace s9  }
0x27: {  	s1 =	sld [smem:$0x3FA9]  }
0x28: {  	s2 =	sld [smem:$0x3FAA]  }
0x29: {  	s4 =	sld [smem:$0x3FAC]  }
0x2a: {  	p0 =	seq.s32 s5, $0x0;
	s5 =	sld [smem:$0x3FAD]  }
0x2b: {  	s6 =	sld [smem:$0x3FAE]  }
0x2c: {  	s7 =	sld [smem:$0x3FAF]  }
0x2d: {  	s3 =	simm.s32 $0x108;
	s8 =	sld [smem:$0x3FB0]  }
0x2e: {  	s3 =	simm.s32 @!p0 $0x1082;
	s9 =	sld [smem:$0x3FB1]  }
0x2f: {  	lr =	sadd.s32 s0, s3;
	s0 =	sld [smem:$0x3FA8]  }
0x30: {  	s3 =	sld [smem:$0x3FAB]  }
0x31: {  	[smem:$0x3FB4] =	sst s10  }
0x32: {  	s10 =	sld [smem:$0x3FB2];
	_ =	sdelay $0x3  }
0x33: {  	p0 =	seq.s32 s10, $0x1;
	s10 =	sld [smem:$0x3FB4];
	_ =	sdelay $0x3  }
0x34: {  	[smem:$0x3FB4] =	sst s10  }
0x35: {  	s10 =	sld [smem:$0x3FB3];
	_ =	sdelay $0x3  }
0x36: {  	p1 =	seq.s32 s10, $0x1;
	s10 =	sld [smem:$0x3FB4];
	_ =	sdelay $0x3  }
0x37: {  	[smem:$0x3FB4] =	sst s10  }
0x38: {  	s10 =	sld [smem:$0x3FB5]  }
0x39: {  	_ = 	snop;
	(pc) =	sbr.ind lr, $3  }
0x3a: {  	_ = 	snop  }
0x3b: {  	_ = 	snop  }
0x3c: {  	p2 =	seq.s32 s10, $0x1;
	s10 =	sld [smem:$0x3FB4]  }
0x3d: {  	_ =	shalt  }
0x3e: {  	_ =	shalt  }
0x3f: {  	_ =	shalt  }
0x40: {  	_ =	shalt  }
0x41: {  	_ =	shalt  }
0x42: {  	_ =	shalt  }
0x43: {  	_ =	shalt  }
0x44: {  	_ =	shalt  }
0x45: {  	_ =	shalt  }
0x46: {  	_ =	shalt  }
0x47: {  	_ =	shalt  }
0x48: {  	_ =	shalt  }
0x49: {  	_ =	shalt  }
0x4a: {  	_ =	shalt  }
0x4b: {  	_ =	shalt  }
0x4c: {  	_ =	shalt  }
0x4d: {  	_ =	shalt  }
0x4e: {  	_ =	shalt  }
0x4f: {  	_ =	shalt  }
0x50: {  	_ =	shalt  }
0x51: {  	_ =	shalt  }
0x52: {  	_ =	shalt  }
0x53: {  	_ =	shalt  }
0x54: {  	_ =	shalt  }
0x55: {  	_ =	shalt  }
0x56: {  	_ =	shalt  }
0x57: {  	_ =	shalt  }
0x58: {  	_ =	shalt  }
0x59: {  	_ =	shalt  }
0x5a: {  	_ =	shalt  }
0x5b: {  	_ =	shalt  }
0x5c: {  	_ =	shalt  }
0x5d: {  	_ =	shalt  }
0x5e: {  	_ =	shalt  }
0x5f: {  	_ =	shalt  }
0x60: {  	_ =	shalt  }
0x61: {  	_ =	shalt  }
0x62: {  	_ =	shalt  }
0x63: {  	_ =	shalt  }
0x64: {  	_ =	shalt  }
0x65: {  	_ =	shalt  }
0x66: {  	_ =	shalt  }
0x67: {  	_ =	shalt  }
0x68: {  	_ =	shalt  }
0x69: {  	_ =	shalt  }
0x6a: {  	_ =	shalt  }
0x6b: {  	_ =	shalt  }
0x6c: {  	_ =	shalt  }
0x6d: {  	_ =	shalt  }
0x6e: {  	_ =	shalt  }
0x6f: {  	_ =	shalt  }
0x70: {  	_ =	shalt  }
0x71: {  	_ =	shalt  }
0x72: {  	_ =	shalt  }
0x73: {  	_ =	shalt  }
0x74: {  	_ =	shalt  }
0x75: {  	_ =	shalt  }
0x76: {  	_ =	shalt  }
0x77: {  	_ =	shalt  }
0x78: {  	_ =	shalt  }
0x79: {  	_ =	shalt  }
0x7a: {  	_ =	shalt  }
0x7b: {  	_ =	shalt  }
0x7c: {  	_ =	shalt  }
0x7d: {  	_ =	shalt  }
0x7e: {  	_ =	shalt  }
0x7f: {  	_ =	shalt  }
0x80: {  	_ =	shalt  }
0x81: {  	_ =	shalt  }
0x82: {  	_ =	shalt  }
0x83: {  	_ =	shalt  }
0x84: {  	_ =	shalt  }
0x85: {  	_ =	shalt  }
0x86: {  	_ =	shalt  }
0x87: {  	_ =	shalt  }
.Lfunc_end0:
.L_simem_size_0:
called_computation_lowered:
.L_overlay_start_0:
0x88: {  	s2 =	sld [smem:$0x3FD9]  }
0x89: {  	s3 =	sld [smem:$0x3FFE];
	_ =	sdelay $0x1  }
0x8a: {  	s1 =	srdreg.scid  }
0x8b: {  	s0 =	sand.u32 $0x1, s1  }
0x8c: {  	s17 =	sshll.u32 s0, $0xA;
	s2 =	sadd.s32 s3, s2  }
0x8d: {  	s2 =	sadd.s32 s2, s17  }
0x8e: {  	[smem:$0x3FC0] =	sst s2  }
0x8f: {  	_ = 	snop  }
0x90: {  	s2 =	sld [smem:$0x3FC8]  }
0x91: {  	s18 =	sld [smem:$0x3FC7]  }
0x92: {  	s4 =	sld [smem:$0x3FC6];
	(tm) =	ssettm $0x1  }
0x93: {  	s5 =	sld [smem:$0x3FFB];
	_ =	sdelay $0x3  }
0x94: {  	_ =	strace s5  }
0x95: {  	s5 =	sld [smem:$0x3FFC];
	_ =	sdelay $0x3  }
0x96: {  	_ =	strace s5  }
0x97: {  	s5 =	sld [smem:$0x3FFD];
	_ =	sdelay $0x3  }
0x98: {  	_ =	strace s5  }
0x99: {  	_ =	strace $0x8FFFFFFF  }
0x9a: {  	s19 =	sld [smem:$0x3FDB];
	_ =	sdelay $0x1  }
0x9b: {  	s6 =	simm.s32 $_scs_section_size  }
0x9c: {  	s7 =	simm.s32 $_size__tile_overlayer_lowered;
	s8 =	simm.s32 $_tile_overlayer_lowered  }
0x9d: {  	s22 =	simm.s32 $0x1BFF;
	s21 =	sshll.u32 s8, $0x1;
	s5 =	sadd.s32 s6, s19  }
0x9e: {  	s9 =	simm.s32 $0x0;
	s20 =	sshll.u32 s7, $0x1;
	s7 =	sadd.s32 s21, s5  }
0x9f: {  	[timem:s9], [sflag:s22] =	dma.local [hbm:s7], s20  }
0xa0: {  	_ =	swait.ge [sflag:s22], s20  }
0xa1: {  	s6 =	ssub.s32 $0x0, s20;
	[sflag:s22] =	ssyncset.done $0x0  }
0xa2: {  	[sflag:s22] =	ssyncadd.s32 s6;
	_ =	sdelay $0x1  }
0xa3: {  	s23 =	simm.s32 $0x1B8B  }
0xa4: {  	_ =	swait.ge [sflag:s23], $0x1  }
0xa5: {  	[sflag:s23] =	ssyncset.done $0x0  }
0xa6: {  	s25 =	simm.s32 $0x1B8E;
	s24 =	sld [smem:$0x3FFE];
	[sflag:s23] =	ssyncadd.s32 $0xFFFFFFFF  }
0xa7: {  	s26 =	simm.s32 $execute0_lowered;
	[smem:$0x3FD2] =	sst s25  }
0xa8: {  	s7 =	sshll.u32 s26, $0x1;
	_ =	strace $0x80000046;
	[dreg:$0x1] =	wrdreg $0xFFFFFFFF  }
0xa9: {  	s28 =	simm.s32 $_size_execute0_lowered;
	s5 =	sadd.s32 s5, s7;
	[dreg:$0x0] =	wrdreg $0x0  }
0xaa: {  	s7 =	sshll.u32 s28, $0x1;
	[dreg:$0x2] =	wrdreg s5  }
0xab: {  	[dreg:$0x3] =	wrdreg s7  }
0xac: {  	[dreg:$0x4] =	wrdreg $0xC0  }
0xad: {  	_ =	task [dreg:s9], $0x5FFFF  }
0xae: {  	[dreg:$0x1] =	wrdreg $0xFFFFFFFF  }
0xaf: {  	[dreg:$0x0] =	wrdreg $0x60  }
0xb0: {  	[dreg:$0x2] =	wrdreg s2  }
0xb1: {  	[dreg:$0x3] =	wrdreg s18  }
0xb2: {  	[dreg:$0x4] =	wrdreg s4  }
0xb3: {  	[dreg:$0x5] =	wrdreg s24  }
0xb4: {  	[dreg:$0x6] =	wrdreg $0x9  }
0xb5: {  	_ =	task.clear_ibuf [dreg:s9], $0x7FFFF;
	_ =	strace $0x90000046  }
0xb6: {  	s29 =	simm.s32 $0x9;
	_ =	strace $0x80000048  }
0xb7: {  	_ =	swait.ge [sflag:s29], $0x1  }
0xb8: {  	[sflag:s29] =	ssyncadd.s32 $0xFFFFFFFF  }
0xb9: {  	_ =	strace $0x90000048  }
0xba: {  	_ =	sfence  }
0xbb: {  	s30 =	sld [smem:$0x0];
	_ =	sdelay $0x2  }
0xbc: {  	s31 =	sshll.u32 s1, $0xD;
	s1 =	sshrl.u32 s1, $0x2  }
0xbd: {  	s3 =	sand.u32 $0x4000, s31;
	s1 =	sadd.s32 s1, s30  }
0xbe: {  	s0 =	sor.u32 s3, s0;
	s1 =	sshll.u32 s1, $0x11  }
0xbf: {  	s0 =	sor.u32 s1, s0  }
0xc0: {  	s0 =	sadd.s32 $0x8F2B, s0  }
0xc1: {  	[sflag:s0] =	ssyncadd.remote.s32 $0x1  }
0xc2: {  	_ =	sfence.sel $0xFFFF  }
0xc3: {  	[dreg:$0x0] =	wrdreg $0xFFFFFFFF;
	(pc) =	sbr.abs _section_cstart, $3  }
0xc4: {  	[dreg:$0x1] =	wrdreg $0xFFFFFFFF  }
0xc5: {  	_ =	task.clear_ibuf [dreg:s9], $0x2FFFF;
	_ =	strace $0x9FFFFFFF  }
0xc6: {  	(tm) =	ssettm $0x7FFFFFFF  }
0xc7: {  	_ =	shalt  }
tec
execute0_lowered:
.L_overlay_start_1:
0x0: {  	(tag) =	ssettag $0x1  }
0x1: {  	s3 =	rddreg [dreg:$0x0]  }
0x2: {  	s4 =	rddreg [dreg:$0x1]  }
0x3: {  	s5 =	rddreg [dreg:$0x2];
	s1 =	srdreg.scid  }
0x4: {  	s0 =	stileid.u32;
	s6 =	rddreg [dreg:$0x3]  }
0x5: {  	s11 =	simm.s32 $0x7530;
	s12 =	simm.s32 $0x9C40;
	s13 =	simm.s32 $0x1  }
0x6: {  	s14 =	simm.s32 $0x2710;
	s15 =	simm.s32 $0xC350;
	s16 =	simm.s32 $0x2  }
0x7: {  	s17 =	simm.s32 $0x0;
	s7 =	sand.u32 $0x1, s1;
	s2 =	sshll.u32 s0, $0x1  }
0x8: {  	s8 =	sor.u32 s7, s2;
	s2 =	simm.s32 $0x0;
	s7 =	ssub.s32 $0x2, s7  }
0x9: {  	s8 =	smul.u32 $0x4E2, s8;
	[smem:$0x7FF] =	sst s2;
	s9 =	sshrl.u32 s7, $0x1  }
0xa: {  	s1 =	rddreg [dreg:$0x4];
	_ =	strace $0x80000047;
	s9 =	ssub.s32 s7, s9  }
0xb: {  	s10 =	sadd.s32 s8, s6;
	s3 =	sadd.s32 s3, s8;
	s4 =	sadd.s32 s4, s8  }
0xc: {  	s5 =	sadd.s32 s5, s8;
	s9 =	smax.u32 s9, $0x1;
	s6 =	sadd.s32 $0x15800, s10  }
0xd: {  	v0 =	vimm.f32 $0.0e+00;
	v1 =	vimm.f32 $1.000000000e+00;
	s7 =	sadd.s32 $0x1C00, s10;
	s8 =	sadd.s32 $0xBA00, s10;
	s10 =	simm.s32 $0x4E20  }
.LBB2_1:
0xe: {  	[tilespmem:s10], [sflag:$0x1] =	stream.linear.gather [hbm4b:s3+s2], $0x2710, $0x38;
	[tilespmem:$0xEA60] =	vst v63  }
0xf: {  	_ = 	snop  }
0x10: {  	[tilespmem:s11], [sflag:$0x1] =	stream.linear.gather [hbm4b:s4+s2], $0x2710, $0x38;
	[tilespmem:$0xEA60] =	vst v63  }
0x11: {  	s18 =	simm.s32 $0x40;
	s19 =	simm.s32 $0x0  }
0x12: {  	[tilespmem:s12], [sflag:$0x1] =	stream.linear.gather [hbm4b:s5+s2], $0x2710, $0x38;
	[tilespmem:$0xEA60] =	vst v63  }
.LBB2_2:
0x13: {  	p0 =	sne.s32 s18, $0x9C00;
	[tilespmem:s19+$0x0] =	vst v0;
	s20 =	smov.u32 s18;
	s18 =	sadd.s32 $0x40, s18  }
.Ltmp0:
0x14: {  	[tilespmem:s19+$0x2710] =	vst v0;
	(pc) =	sbr.rel @p0 .LBB2_2-.Ltmp0, $2  }
0x15: {  	_ =	sdelay $0x2  }
0x16: {  	s19 =	sshra.s32 s20, $0x2  }
0x17: {  	[tilespmem:s19+$0x0] =	vst v0  }
0x18: {  	[tilespmem:s19+$0x2710] =	vst v0  }
0x19: {  	_ =	swait.ge [sflag:s13], $0x2710  }
0x1a: {  	[sflag:s13] =	ssyncset.done $0x0  }
0x1b: {  	[sflag:s13] =	ssyncadd.s32 $0xFFFFD8F0  }
0x1c: {  	_ =	swait.ge [sflag:s13], $0x2710  }
0x1d: {  	[sflag:s13] =	ssyncset.done $0x0  }
0x1e: {  	[sflag:s13] =	ssyncadd.s32 $0xFFFFD8F0  }
0x1f: {  	_ =	swait.ge [sflag:s13], $0x2710  }
0x20: {  	[sflag:s13] =	ssyncset.done $0x0  }
0x21: {  	s18 =	simm.s32 $0x0;
	[sflag:s13] =	ssyncadd.s32 $0xFFFFD8F0  }
0x22: {  	v2 =	vld [tilespmem:s18+$0x4E20]  }
0x23: {  	s19 =	simm.s32 $0x40;
	v3 =	vld [tilespmem:s18+$0x7530]  }
.LBB2_4:
0x24: {  	p0 =	sne.s32 s19, $0x9C00;
	v4 =	vld [tilespmem:s18+$0x9C40];
	_ =	sdelay $0x4  }
.Ltmp1:
0x25: {  	v4 =	vmul.u32 $0x2710, v4;
	(pc) =	sbr.rel @p0 .LBB2_4-.Ltmp1, $4  }
0x26: {  	[tilespmem:v2+s2+$0x0] =	vst.idx.add.f32.msk $0xffff, v1  }
0x27: {  	s20 =	sshra.s32 s19, $0x2;
	[tilespmem:v3+s14+$0x0] =	vst.idx.add.f32.msk $0xffff, v1;
	v3 =	vadd.s32 v2, v4  }
0x28: {  	v2 =	vld [tilespmem:s20+$0x4E20];
	[tilespmem:s18+$0xC350] =	vst v3;
	s18 =	smov.u32 s20  }
0x29: {  	s19 =	sadd.s32 $0x40, s19;
	v3 =	vld [tilespmem:s18+$0x7530]  }
0x2a: {  	_ = 	snop  }
0x2b: {  	v4 =	vld [tilespmem:s18+$0x9C40];
	_ =	sdelay $0x4  }
0x2c: {  	v4 =	vmul.u32 $0x2710, v4  }
0x2d: {  	[tilespmem:v2+s2+$0x0] =	vst.idx.add.f32.msk $0xffff, v1  }
0x2e: {  	[tilespmem:v3+s14+$0x0] =	vst.idx.add.f32.msk $0xffff, v1;
	v2 =	vadd.s32 v2, v4  }
0x2f: {  	[tilespmem:s18+$0xC350] =	vst v2  }
0x30: {  	[hbm4b:s6+s2] =	stream.linear.scatter [tilespmem:s15], [sflag:$0x2], $0x2710, $0x38;
	[tilespmem:$0xEA60] =	vst v63  }
0x31: {  	_ =	swait.ge [sflag:s16], $0x2710  }
0x32: {  	[sflag:s16] =	ssyncset.done $0x0  }
0x33: {  	[sflag:s16] =	ssyncadd.s32 $0xFFFFD8F0  }
0x34: {  	[hbm4b:s7+s2] =	stream.linear.scatter [tilespmem:s2], [sflag:$0x2], $0x2710, $0x38;
	[tilespmem:$0xEA60] =	vst v63  }
0x35: {  	s17 =	sadd.s32 $0x1, s17;
	_ =	swait.ge [sflag:s16], $0x2710  }
0x36: {  	p0 =	sne.s32 s17, s9;
	[sflag:s16] =	ssyncset.done $0x0  }
.Ltmp2:
0x37: {  	[sflag:s16] =	ssyncadd.s32 $0xFFFFD8F0;
	(pc) =	sbr.rel @p0 .LBB2_1-.Ltmp2, $4  }
0x38: {  	[hbm4b:s8+s2] =	stream.linear.scatter [tilespmem:s14], [sflag:$0x2], $0x2710, $0x38;
	[tilespmem:$0xEA60] =	vst v63  }
0x39: {  	_ =	swait.ge [sflag:s16], $0x2710  }
0x3a: {  	[sflag:s16] =	ssyncset.done $0x0  }
0x3b: {  	[sflag:s16] =	ssyncadd.s32 $0xFFFFD8F0  }
0x3c: {  	_ =	sfence.sel $0x180000  }
0x3d: {  	[bflag:$0x0] =	sbarrier.arrive $0xFFFF  }
0x3e: {  	p0 =	sne.s32 s0, $0x0;
	_ =	strace $0x90000047  }
0x3f: {  	s0 =	sadd.s32 @!p0 $0x100000, s1;
	[bflag:$0x2] =	sbarrier.arrive $0xFFFF  }
0x40: {  	[sflag:s0] =	ssyncadd.tile.s32 @!p0 $0x1;
	_ =	shalt  }
.Lfunc_end2:
_tile_overlayer_lowered:
.L_overlay_start_2:
0x41: {  	(tag) =	ssettag $0x2  }
0x42: {  	s0 =	rddreg [dreg:$0x0];
	s2 =	stileid.u32  }
0x43: {  	s1 =	rddreg [dreg:$0x1];
	p0 =	sne.s32 s2, $0x0  }
0x44: {  	s3 =	rddreg [dreg:$0x2];
	[bflag:$0x3] =	sbarrier.arrive $0xFFFF;
	s2 =	simm.s32 @!p0 $0x1C02  }
0x45: {  	[timem:s3], [sflag:s2] =	dma.local @!p0 [hbm:s0], s1  }
0x46: {  	s0 =	simm.s32 @!p0 $0x2  }
0x47: {  	_ =	swait.ge @!p0 [sflag:s0], s1  }
0x48: {  	s1 =	ssub.s32 @!p0 $0x0, s1;
	[sflag:s0] =	ssyncset.done @!p0 $0x0  }
0x49: {  	[sflag:s0] =	ssyncadd.s32 @!p0 s1  }
0x4a: {  	[bflag:$0x3] =	sbarrier.arrive $0xFFFF  }
0x4b: {  	_ =	shalt  }

// kernel: kernel.9.cloned.1.call-start
scs
__scs_entry_jumppad:
0x0: {  	(pc) =	sbr.rel $0x88, $3  }
0x1: {  	(tag) =	ssettag $0x0;
	lr =	simm.s32 $0x1  }
0x2: {  	[smem:$0x3F99] =	sst lr;
	_ =	strace $0xD0000000  }
0x3: {  	_ = 	snop  }
0x4: {  	_ = 	snop  }
0x5: {  	_ = 	snop  }
0x6: {  	_ = 	snop  }
0x7: {  	_ = 	snop  }
__scs_overlays_trampoline_lowered:
0x8: {  	[smem:$0x3FA8] =	sst s0  }
0x9: {  	[smem:$0x3FA9] =	sst s1  }
0xa: {  	[smem:$0x3FAA] =	sst s2  }
0xb: {  	[smem:$0x3FAB] =	sst s3  }
0xc: {  	[smem:$0x3FAC] =	sst s4  }
0xd: {  	[smem:$0x3FAD] =	sst s5  }
0xe: {  	[smem:$0x3FAE] =	sst s6  }
0xf: {  	[smem:$0x3FAF] =	sst s7  }
0x10: {  	[smem:$0x3FB0] =	sst s8  }
0x11: {  	[smem:$0x3FB1] =	sst s9;
	s0 =	simm.s32 @!p0 $0x0  }
0x12: {  	s1 =	sld [smem:$0x3F97];
	s0 =	simm.s32 @p0 $0x1  }
0x13: {  	[smem:$0x3FB2] =	sst s0;
	s0 =	simm.s32 @!p1 $0x0  }
0x14: {  	s2 =	sld [smem:$0x3F96];
	s0 =	simm.s32 @p1 $0x1  }
0x15: {  	[smem:$0x3FB3] =	sst s0;
	s0 =	simm.s32 @!p2 $0x0  }
0x16: {  	s3 =	sld [smem:$0x3FDB];
	s0 =	simm.s32 @p2 $0x1  }
0x17: {  	s4 =	simm.s32 $0x1BF5;
	[smem:$0x3FB5] =	sst s0  }
0x18: {  	s0 =	sld [smem:$0x3F98];
	_ =	swait.ge [sflag:s4], $0x0  }
0x19: {  	s7 =	sld [smem:$0x3F99]  }
0x1a: {  	s8 =	sadd.s32 $0xFFFFE003, lr  }
0x1b: {  	s9 =	sadd.s32 $0xFFFFFEF7, lr;
	s5 =	simm.s32 $0xFFFFFFFF;
	p2 =	slt.u32 s8, $0xFFFFF086  }
0x1c: {  	p1 =	slt.u32 s9, $0xF7A;
	s5 =	simm.s32 @!p2 $0x0  }
0x1d: {  	s5 =	simm.s32 @p1 $0x1;
	p0 =	seq.s32 s7, s2  }
0x1e: {  	s7 =	smul.u32 @!p0 $0xF7A, s2;
	p2 =	seq.s32 @!p0 s5, $0x0  }
0x1f: {  	s9 =	smul.u32 $0xF7A, s1;
	s8 =	simm.s32 @!p0 $0x1BF5;
	p2 =	por !p2, p0  }
0x20: {  	[sflag:s8] =	ssyncset.s32 @!p0 $0xFFFFF086;
	s6 =	sadd.s32 @!p0 s3, s7;
	s7 =	simm.s32 @!p0 $0x108  }
0x21: {  	s3 =	sadd.s32 s3, s9;
	s6 =	sadd.s32 @!p0 $0x88, s6;
	s7 =	simm.s32 @p2 $0x1082  }
0x22: {  	[simem:s7], [sflag:s8] =	dma.local @!p0 [hbm:s6], $0xF7A  }
0x23: {  	s9 =	sor.u32 $0xD0000000, s2;
	s6 =	simm.s32 $0x108;
	_ =	swait.ge @!p0 [sflag:s8], $0x0  }
0x24: {  	s3 =	sadd.s32 $0x88, s3;
	s6 =	simm.s32 @!p1 $0x1082;
	[sflag:s4] =	ssyncset.s32 $0xFFFFF086  }
0x25: {  	[simem:s6], [sflag:s4] =	dma.local [hbm:s3], $0xF7A  }
0x26: {  	[smem:$0x3F99] =	sst s1;
	(tag) =	ssettag s2;
	_ =	strace s9  }
0x27: {  	s1 =	sld [smem:$0x3FA9]  }
0x28: {  	s2 =	sld [smem:$0x3FAA]  }
0x29: {  	s4 =	sld [smem:$0x3FAC]  }
0x2a: {  	p0 =	seq.s32 s5, $0x0;
	s5 =	sld [smem:$0x3FAD]  }
0x2b: {  	s6 =	sld [smem:$0x3FAE]  }
0x2c: {  	s7 =	sld [smem:$0x3FAF]  }
0x2d: {  	s3 =	simm.s32 $0x108;
	s8 =	sld [smem:$0x3FB0]  }
0x2e: {  	s3 =	simm.s32 @!p0 $0x1082;
	s9 =	sld [smem:$0x3FB1]  }
0x2f: {  	lr =	sadd.s32 s0, s3;
	s0 =	sld [smem:$0x3FA8]  }
0x30: {  	s3 =	sld [smem:$0x3FAB]  }
0x31: {  	[smem:$0x3FB4] =	sst s10  }
0x32: {  	s10 =	sld [smem:$0x3FB2];
	_ =	sdelay $0x3  }
0x33: {  	p0 =	seq.s32 s10, $0x1;
	s10 =	sld [smem:$0x3FB4];
	_ =	sdelay $0x3  }
0x34: {  	[smem:$0x3FB4] =	sst s10  }
0x35: {  	s10 =	sld [smem:$0x3FB3];
	_ =	sdelay $0x3  }
0x36: {  	p1 =	seq.s32 s10, $0x1;
	s10 =	sld [smem:$0x3FB4];
	_ =	sdelay $0x3  }
0x37: {  	[smem:$0x3FB4] =	sst s10  }
0x38: {  	s10 =	sld [smem:$0x3FB5]  }
0x39: {  	_ = 	snop;
	(pc) =	sbr.ind lr, $3  }
0x3a: {  	_ = 	snop  }
0x3b: {  	_ = 	snop  }
0x3c: {  	p2 =	seq.s32 s10, $0x1;
	s10 =	sld [smem:$0x3FB4]  }
0x3d: {  	_ =	shalt  }
0x3e: {  	_ =	shalt  }
0x3f: {  	_ =	shalt  }
0x40: {  	_ =	shalt  }
0x41: {  	_ =	shalt  }
0x42: {  	_ =	shalt  }
0x43: {  	_ =	shalt  }
0x44: {  	_ =	shalt  }
0x45: {  	_ =	shalt  }
0x46: {  	_ =	shalt  }
0x47: {  	_ =	shalt  }
0x48: {  	_ =	shalt  }
0x49: {  	_ =	shalt  }
0x4a: {  	_ =	shalt  }
0x4b: {  	_ =	shalt  }
0x4c: {  	_ =	shalt  }
0x4d: {  	_ =	shalt  }
0x4e: {  	_ =	shalt  }
0x4f: {  	_ =	shalt  }
0x50: {  	_ =	shalt  }
0x51: {  	_ =	shalt  }
0x52: {  	_ =	shalt  }
0x53: {  	_ =	shalt  }
0x54: {  	_ =	shalt  }
0x55: {  	_ =	shalt  }
0x56: {  	_ =	shalt  }
0x57: {  	_ =	shalt  }
0x58: {  	_ =	shalt  }
0x59: {  	_ =	shalt  }
0x5a: {  	_ =	shalt  }
0x5b: {  	_ =	shalt  }
0x5c: {  	_ =	shalt  }
0x5d: {  	_ =	shalt  }
0x5e: {  	_ =	shalt  }
0x5f: {  	_ =	shalt  }
0x60: {  	_ =	shalt  }
0x61: {  	_ =	shalt  }
0x62: {  	_ =	shalt  }
0x63: {  	_ =	shalt  }
0x64: {  	_ =	shalt  }
0x65: {  	_ =	shalt  }
0x66: {  	_ =	shalt  }
0x67: {  	_ =	shalt  }
0x68: {  	_ =	shalt  }
0x69: {  	_ =	shalt  }
0x6a: {  	_ =	shalt  }
0x6b: {  	_ =	shalt  }
0x6c: {  	_ =	shalt  }
0x6d: {  	_ =	shalt  }
0x6e: {  	_ =	shalt  }
0x6f: {  	_ =	shalt  }
0x70: {  	_ =	shalt  }
0x71: {  	_ =	shalt  }
0x72: {  	_ =	shalt  }
0x73: {  	_ =	shalt  }
0x74: {  	_ =	shalt  }
0x75: {  	_ =	shalt  }
0x76: {  	_ =	shalt  }
0x77: {  	_ =	shalt  }
0x78: {  	_ =	shalt  }
0x79: {  	_ =	shalt  }
0x7a: {  	_ =	shalt  }
0x7b: {  	_ =	shalt  }
0x7c: {  	_ =	shalt  }
0x7d: {  	_ =	shalt  }
0x7e: {  	_ =	shalt  }
0x7f: {  	_ =	shalt  }
0x80: {  	_ =	shalt  }
0x81: {  	_ =	shalt  }
0x82: {  	_ =	shalt  }
0x83: {  	_ =	shalt  }
0x84: {  	_ =	shalt  }
0x85: {  	_ =	shalt  }
0x86: {  	_ =	shalt  }
0x87: {  	_ =	shalt  }
.Lfunc_end0:
.L_simem_size_0:
called_computation.1_lowered:
.L_overlay_start_0:
0x88: {  	s2 =	sld [smem:$0x3FD9]  }
0x89: {  	s3 =	sld [smem:$0x3FFE];
	_ =	sdelay $0x1  }
0x8a: {  	s1 =	srdreg.scid  }
0x8b: {  	s0 =	sand.u32 $0x1, s1  }
0x8c: {  	s17 =	sshll.u32 s0, $0xA;
	s2 =	sadd.s32 s3, s2  }
0x8d: {  	s2 =	sadd.s32 s2, s17  }
0x8e: {  	[smem:$0x3FC0] =	sst s2  }
0x8f: {  	_ = 	snop  }
0x90: {  	s2 =	sld [smem:$0x3FC7];
	(tm) =	ssettm $0x1  }
0x91: {  	s18 =	sld [smem:$0x3FFB];
	_ =	sdelay $0x3  }
0x92: {  	_ =	strace s18  }
0x93: {  	s3 =	sld [smem:$0x3FFC];
	_ =	sdelay $0x3  }
0x94: {  	_ =	strace s3  }
0x95: {  	s3 =	sld [smem:$0x3FFD];
	_ =	sdelay $0x3  }
0x96: {  	_ =	strace s3  }
0x97: {  	_ =	strace $0x8FFFFFFF  }
0x98: {  	s19 =	sld [smem:$0x3FDB];
	_ =	sdelay $0x1  }
0x99: {  	s4 =	simm.s32 $_scs_section_size  }
0x9a: {  	s5 =	simm.s32 $_size__tile_overlayer_lowered;
	s6 =	simm.s32 $_tile_overlayer_lowered  }
0x9b: {  	s22 =	simm.s32 $0x1BFF;
	s21 =	sshll.u32 s6, $0x1;
	s3 =	sadd.s32 s4, s19  }
0x9c: {  	s7 =	simm.s32 $0x0;
	s20 =	sshll.u32 s5, $0x1;
	s5 =	sadd.s32 s21, s3  }
0x9d: {  	[timem:s7], [sflag:s22] =	dma.local [hbm:s5], s20  }
0x9e: {  	_ =	swait.ge [sflag:s22], s20  }
0x9f: {  	s4 =	ssub.s32 $0x0, s20;
	[sflag:s22] =	ssyncset.done $0x0  }
0xa0: {  	[sflag:s22] =	ssyncadd.s32 s4;
	_ =	sdelay $0x1  }
0xa1: {  	s23 =	simm.s32 $0x1B8B  }
0xa2: {  	_ =	swait.ge [sflag:s23], $0x1  }
0xa3: {  	[sflag:s23] =	ssyncset.done $0x0  }
0xa4: {  	s25 =	simm.s32 $0x1B8E;
	s24 =	sld [smem:$0x3FFE];
	[sflag:s23] =	ssyncadd.s32 $0xFFFFFFFF  }
0xa5: {  	s26 =	simm.s32 $execute0_lowered;
	[smem:$0x3FD2] =	sst s25  }
0xa6: {  	s5 =	sshll.u32 s26, $0x1;
	_ =	strace $0x80000049;
	[dreg:$0x1] =	wrdreg $0xFFFFFFFF  }
0xa7: {  	s28 =	simm.s32 $_size_execute0_lowered;
	s3 =	sadd.s32 s3, s5;
	[dreg:$0x0] =	wrdreg $0x0  }
0xa8: {  	s5 =	sshll.u32 s28, $0x1;
	[dreg:$0x2] =	wrdreg s3  }
0xa9: {  	[dreg:$0x3] =	wrdreg s5  }
0xaa: {  	[dreg:$0x4] =	wrdreg $0xC0  }
0xab: {  	_ =	task [dreg:s7], $0x5FFFF  }
0xac: {  	[dreg:$0x1] =	wrdreg $0xFFFFFFFF  }
0xad: {  	[dreg:$0x0] =	wrdreg $0x60  }
0xae: {  	[dreg:$0x2] =	wrdreg s24  }
0xaf: {  	[dreg:$0x3] =	wrdreg s2  }
0xb0: {  	[dreg:$0x4] =	wrdreg $0x0  }
0xb1: {  	[dreg:$0x5] =	wrdreg $0x9  }
0xb2: {  	_ =	task.clear_ibuf [dreg:s7], $0x6FFFF;
	_ =	strace $0x90000049  }
0xb3: {  	s29 =	simm.s32 $0x9;
	_ =	strace $0x8000004B  }
0xb4: {  	_ =	swait.ge [sflag:s29], $0x1  }
0xb5: {  	[sflag:s29] =	ssyncadd.s32 $0xFFFFFFFF  }
0xb6: {  	_ =	strace $0x9000004B  }
0xb7: {  	_ =	sfence  }
0xb8: {  	s30 =	sld [smem:$0x0];
	_ =	sdelay $0x2  }
0xb9: {  	s31 =	sshll.u32 s1, $0xD;
	s1 =	sshrl.u32 s1, $0x2  }
0xba: {  	s3 =	sand.u32 $0x4000, s31;
	s1 =	sadd.s32 s1, s30  }
0xbb: {  	s0 =	sor.u32 s3, s0;
	s1 =	sshll.u32 s1, $0x11  }
0xbc: {  	s0 =	sor.u32 s1, s0  }
0xbd: {  	s0 =	sadd.s32 $0x8F2B, s0  }
0xbe: {  	[sflag:s0] =	ssyncadd.remote.s32 $0x1  }
0xbf: {  	_ =	sfence.sel $0xFFFF  }
0xc0: {  	[dreg:$0x0] =	wrdreg $0xFFFFFFFF;
	(pc) =	sbr.abs _section_cstart, $3  }
0xc1: {  	[dreg:$0x1] =	wrdreg $0xFFFFFFFF  }
0xc2: {  	_ =	task.clear_ibuf [dreg:s7], $0x2FFFF;
	_ =	strace $0x9FFFFFFF  }
0xc3: {  	(tm) =	ssettm $0x7FFFFFFF  }
tec
execute0_lowered:
.L_overlay_start_1:
0x0: {  	(tag) =	ssettag $0x1  }
0x1: {  	s0 =	rddreg [dreg:$0x0]  }
0x2: {  	s1 =	srdreg.scid;
	s5 =	rddreg [dreg:$0x1]  }
0x3: {  	s13 =	stileid.u32;
	s2 =	rddreg [dreg:$0x2];
	s14 =	simm.s32 $0x11  }
0x4: {  	s15 =	simm.s32 $0x80;
	s17 =	simm.s32 $0xF400;
	s28 =	simm.s32 $0x4  }
0x5: {  	s29 =	simm.s32 $0x5;
	s30 =	simm.s32 $0x17400;
	s31 =	simm.s32 $0x6  }
0x6: {  	s16 =	simm.s32 $0x1B400;
	s18 =	simm.s32 $0x8;
	s1 =	sand.u32 $0x1, s1  }
0x7: {  	s3 =	sshll.u32 s13, $0x1;
	s4 =	sadd.s32 $0xBBA00, s0;
	s9 =	smul.u32 $0xA000, s13  }
0x8: {  	s19 =	sadd.s32 $0x1C00, s0;
	s26 =	sshll.u32 s13, $0x6;
	s6 =	sor.u32 s1, s3  }
0x9: {  	s3 =	simm.s32 $0x0;
	s12 =	smul.u32 $0xA0000, s1;
	s1 =	ssub.s32 $0x2, s1  }
0xa: {  	s7 =	smul.u32 $0x9C4, s6;
	[smem:$0x7FF] =	sst s3;
	p0 =	seq.s32 s6, $0x1F  }
0xb: {  	s22 =	sshrl.u32 s1, $0x1;
	s24 =	sadd.s32 s9, s2;
	_ =	strace $0x8000004A  }
0xc: {  	[dreg:$0x4] =	wrdreg s19;
	s20 =	sadd.s32 s9, s12;
	s1 =	ssub.s32 s1, s22  }
0xd: {  	s12 =	sshrl.u32 s24, $0x3;
	s19 =	simm.s32 $0x11400;
	s24 =	simm.s32 $0x1  }
0xe: {  	s8 =	sshrl.u32 s7, $0x1;
	s10 =	sadd.s32 $0x9C4, s7;
	s7 =	sshrl.u32 s7, $0x5  }
0xf: {  	s21 =	sshrl.u32 s20, $0x3;
	s25 =	smax.u32 s1, $0x1;
	s10 =	sshrl.u32 s10, $0x5  }
0x10: {  	s1 =	simm.s32 $0x19400;
	s20 =	simm.s32 $0x1D400;
	s6 =	sand.u32 $0x1FF8, s10  }
0x11: {  	[dreg:$0x9] =	wrdreg s12;
	s7 =	sand.u32 $0xFF8, s7;
	s6 =	simm.s32 @p0 $0x9C4  }
0x12: {  	s8 =	sand.u32 $0xFF80, s8;
	[dreg:$0x7] =	wrdreg s25;
	s6 =	ssub.s32 s6, s7  }
0x13: {  	s25 =	simm.s32 $0x2;
	s11 =	sadd.s32 s8, s0;
	p0 =	seq.s32 s6, $0x54  }
0x14: {  	s0 =	sadd.s32 s21, s0;
	s8 =	sadd.s32 s5, s8;
	p3 =	seq.s32 @!p0 s6, $0x50  }
0x15: {  	s21 =	simm.s32 $0x13400;
	s23 =	sadd.s32 $0x15800, s11;
	p1 =	por p3, p0  }
0x16: {  	s0 =	sadd.s32 $0x1F600, s0;
	s11 =	sor.u32 $0x1C11, s26;
	p4 =	sne.s32 @!p1 s6, $0x48  }
0x17: {  	p1 =	por !p3, p0;
	p2 =	por @!p0 p4, p3;
	p3 =	por @!p0 !p4, p3  }
0x18: {  	s26 =	simm.s32 $0x3;
	[dreg:$0x6] =	wrdreg s0;
	p3 =	por !p3, p0  }
.Ltmp0:
0x19: {  	s9 =	sshra.s32 s6, $0x2;
	s0 =	simm.s32 @!p3 $0x0;
	(pc) =	sbr.rel .LBB2_1-.Ltmp0, $4  }
0x1a: {  	[dreg:$0x5] =	wrdreg s23;
	s0 =	simm.s32 @p3 $0x1;
	p3 =	slt.s32 s9, $0x1  }
0x1b: {  	s23 =	simm.s32 $0x15400;
	[smem:$0x7FC] =	sst s0;
	s0 =	simm.s32 @!p3 $0x0  }
0x1c: {  	[dreg:$0x8] =	wrdreg s11;
	p4 =	sne.s32 s6, $0x48;
	s0 =	simm.s32 @p3 $0x1  }
0x1d: {  	p2 =	por p2, p0;
	[smem:$0x7FD] =	sst s0;
	s0 =	simm.s32 $0x7  }
.LBB2_6:
0x1e: {  	s5 =	simm.s32 $0x9  }
0x1f: {  	_ =	swait.ge [sflag:s5], $0x2000  }
0x20: {  	[sflag:s5] =	ssyncset.done $0x0  }
0x21: {  	s12 =	simm.s32 $0xA;
	[sflag:s5] =	ssyncadd.s32 $0xFFFFE000  }
0x22: {  	_ =	swait.ge [sflag:s12], $0x2000  }
0x23: {  	[sflag:s12] =	ssyncset.done $0x0  }
0x24: {  	s13 =	simm.s32 $0xB;
	[sflag:s12] =	ssyncadd.s32 $0xFFFFE000  }
0x25: {  	_ =	swait.ge [sflag:s13], $0x2000  }
0x26: {  	[sflag:s13] =	ssyncset.done $0x0  }
0x27: {  	s22 =	simm.s32 $0xC;
	[sflag:s13] =	ssyncadd.s32 $0xFFFFE000  }
0x28: {  	_ =	swait.ge [sflag:s22], $0x2000  }
0x29: {  	[sflag:s22] =	ssyncset.done $0x0  }
0x2a: {  	s7 =	simm.s32 $0xD;
	[sflag:s22] =	ssyncadd.s32 $0xFFFFE000  }
0x2b: {  	_ =	swait.ge [sflag:s7], $0x2000  }
0x2c: {  	[sflag:s7] =	ssyncset.done $0x0  }
0x2d: {  	s10 =	simm.s32 $0xE;
	[sflag:s7] =	ssyncadd.s32 $0xFFFFE000  }
0x2e: {  	_ =	swait.ge [sflag:s10], $0x2000  }
0x2f: {  	[sflag:s10] =	ssyncset.done $0x0  }
0x30: {  	s11 =	simm.s32 $0xF;
	[sflag:s10] =	ssyncadd.s32 $0xFFFFE000  }
0x31: {  	_ =	swait.ge [sflag:s11], $0x2000  }
0x32: {  	[sflag:s11] =	ssyncset.done $0x0  }
0x33: {  	s12 =	simm.s32 $0x10;
	[sflag:s11] =	ssyncadd.s32 $0xFFFFE000  }
0x34: {  	_ =	swait.ge [sflag:s12], $0x2000  }
0x35: {  	[sflag:s12] =	ssyncset.done $0x0  }
0x36: {  	[sflag:s12] =	ssyncadd.s32 $0xFFFFE000  }
0x37: {  	[bflag:$0x0] =	sbarrier.arrive $0xFFFF  }
0x38: {  	s13 =	rddreg [dreg:$0x6]  }
0x39: {  	s11 =	rddreg [dreg:$0x8]  }
0x3a: {  	s12 =	rddreg [dreg:$0x9]  }
0x3b: {  	[hbm:s13], [sflag:s11] =	dma.local [spmem:s12], $0x1400  }
0x3c: {  	_ =	swait.ge [sflag:s14], $0x1400  }
0x3d: {  	s3 =	sadd.s32 $0x1, s3;
	s22 =	rddreg [dreg:$0x7]  }
0x3e: {  	p3 =	sne.s32 s3, s22  }
.Ltmp1:
0x3f: {  	_ = 	snop;
	(pc) =	sbr.rel @!p3 .LBB2_7-.Ltmp1, $3  }
0x40: {  	_ =	sdelay $0x1  }
0x41: {  	[sflag:s14] =	ssyncset.done $0x0  }
0x42: {  	[sflag:s14] =	ssyncadd.s32 $0xFFFFEC00  }
.LBB2_1:
0x43: {  	s5 =	simm.s32 @p0 $0x0;
	s7 =	simm.s32 @p0 $0xA000;
	s10 =	rddreg [dreg:$0x5]  }
0x44: {  	[tilespmem:s7], [sflag:$0x1] =	stream.linear.gather @p0 [hbm4b:s10+s5], $0x2A00, $0x38;
	[tilespmem:$0x1F400] =	vst v63  }
0x45: {  	s7 =	simm.s32 @p0 $0xCA00  }
0x46: {  	[tilespmem:s7], [sflag:$0x2] =	stream.linear.gather @p0 [hbm4b:s8+s5], $0x2A00, $0x38;
	[tilespmem:$0x1F400] =	vst v63  }
0x47: {  	s5 =	simm.s32 @!p1 $0x0;
	s7 =	simm.s32 @!p1 $0xA000  }
0x48: {  	[tilespmem:s7], [sflag:$0x1] =	stream.linear.gather @!p1 [hbm4b:s10+s5], $0x2800, $0x38;
	[tilespmem:$0x1F400] =	vst v63  }
0x49: {  	s7 =	simm.s32 @!p1 $0xCA00  }
0x4a: {  	[tilespmem:s7], [sflag:$0x2] =	stream.linear.gather @!p1 [hbm4b:s8+s5], $0x2800, $0x38;
	[tilespmem:$0x1F400] =	vst v63  }
0x4b: {  	s5 =	simm.s32 @!p2 $0x0;
	s7 =	simm.s32 @!p2 $0xA000  }
0x4c: {  	[tilespmem:s7], [sflag:$0x1] =	stream.linear.gather @!p2 [hbm4b:s10+s5], $0x2400, $0x38;
	[tilespmem:$0x1F400] =	vst v63  }
0x4d: {  	s13 =	rddreg [dreg:$0x4];
	s7 =	simm.s32 @!p2 $0xCA00  }
0x4e: {  	[tilespmem:s7], [sflag:$0x2] =	stream.linear.gather @!p2 [hbm4b:s8+s5], $0x2400, $0x38;
	[tilespmem:$0x1F400] =	vst v63  }
0x4f: {  	[spmem:s12], [sflag:s11] =	dma.local [hbm:s13], $0x1400  }
0x50: {  	_ =	swait.ge [sflag:s14], $0x1400  }
0x51: {  	[sflag:s14] =	ssyncset.done $0x0  }
0x52: {  	s5 =	simm.s32 @!p4 $0x1;
	[sflag:s14] =	ssyncadd.s32 $0xFFFFEC00  }
0x53: {  	_ =	swait.ge @!p4 [sflag:s5], $0x2400  }
0x54: {  	s22 =	sld [smem:$0x7FC];
	_ =	sdelay $0x1  }
0x55: {  	p3 =	por @!p2 $0x0, $0x0;
	p6 =	por $0x0, $0x0;
	[sflag:s5] =	ssyncset.done @!p4 $0x0  }
0x56: {  	[sflag:s5] =	ssyncadd.s32 @!p4 $0xFFFFDC00;
	s5 =	simm.s32 @!p4 $0x2;
	p5 =	seq.s32 s22, $0x1  }
0x57: {  	_ =	swait.ge @!p4 [sflag:s5], $0x2400;
	p6 =	por @!p5 p3, p3;
	p3 =	por @!p1 $0x1, $0x1  }
0x58: {  	p5 =	por p6, p6;
	p6 =	por @!p1 p3, p3;
	p3 =	por @p0 $0x0, $0x0  }
0x59: {  	[sflag:s5] =	ssyncset.done @!p4 $0x0;
	p3 =	por @!p0 p6, p6  }
0x5a: {  	[sflag:s5] =	ssyncadd.s32 @!p4 $0xFFFFDC00;
	s5 =	simm.s32 @p3 $0x1  }
0x5b: {  	_ =	swait.ge @p3 [sflag:s5], $0x2800  }
0x5c: {  	[sflag:s5] =	ssyncset.done @p3 $0x0  }
0x5d: {  	p6 =	por @!p1 $0x0, $0x0;
	[sflag:s5] =	ssyncadd.s32 @p3 $0xFFFFD800;
	s5 =	simm.s32 @p3 $0x2  }
0x5e: {  	p5 =	por @!p1 p6, p6;
	p6 =	por @p0 $0x1, $0x1;
	_ =	swait.ge @p3 [sflag:s5], $0x2800  }
0x5f: {  	p6 =	por @!p0 p5, p5;
	[sflag:s5] =	ssyncset.done @p3 $0x0  }
0x60: {  	[sflag:s5] =	ssyncadd.s32 @p3 $0xFFFFD800;
	s5 =	simm.s32 @p6 $0x1  }
0x61: {  	_ =	swait.ge @p6 [sflag:s5], $0x2A00  }
0x62: {  	[sflag:s5] =	ssyncset.done @p6 $0x0  }
0x63: {  	[sflag:s5] =	ssyncadd.s32 @p6 $0xFFFFD600;
	s5 =	simm.s32 @p6 $0x2  }
0x64: {  	_ =	swait.ge @p6 [sflag:s5], $0x2A00  }
0x65: {  	[sflag:s5] =	ssyncset.done @p6 $0x0  }
0x66: {  	[sflag:s5] =	ssyncadd.s32 @p6 $0xFFFFD600  }
0x67: {  	s7 =	simm.s32 $0xA000;
	[bflag:$0x0] =	sbarrier.arrive $0xFFFF  }
0x68: {  	[tilespmem:s17], [sflag:$0x1] =	stream.indirect.gather [hbm4b:s4+s15], $0x40, s7, s15, $0xb8;
	[tilespmem:$0x1F400] =	vst v63  }
0x69: {  	s13 =	sld [smem:$0x7FD]  }
0x6a: {  	s10 =	simm.s32 $0xA080  }
0x6b: {  	[tilespmem:s19], [sflag:$0x2] =	stream.indirect.gather [hbm4b:s4+s15], $0x40, s10, s15, $0xb8;
	[tilespmem:$0x1F400] =	vst v63  }
0x6c: {  	p3 =	seq.s32 s13, $0x1  }
.Ltmp2:
0x6d: {  	_ = 	snop;
	(pc) =	sbr.rel @!p3 .LBB2_2-.Ltmp2, $4  }
.Ltmp3:
0x6e: {  	s11 =	simm.s32 $0xA100;
	s12 =	simm.s32 $0xA180;
	(pc) =	sbr.rel @p3 .LBB2_6-.Ltmp3, $4  }
0x6f: {  	[tilespmem:s21], [sflag:$0x3] =	stream.indirect.gather [hbm4b:s4+s15], $0x40, s11, s15, $0xb8;
	[tilespmem:$0x1F400] =	vst v63  }
0x70: {  	s22 =	simm.s32 $0x7;
	s5 =	simm.s32 $0x0;
	s10 =	simm.s32 $0x0  }
0x71: {  	[tilespmem:s23], [sflag:$0x4] =	stream.indirect.gather [hbm4b:s4+s15], $0x40, s12, s15, $0xb8;
	[tilespmem:$0x1F400] =	vst v63  }
0x72: {  	_ = 	snop  }
.LBB2_4:
0x73: {  	_ =	swait.ge [sflag:s29], $0x2000  }
0x74: {  	[sflag:s29] =	ssyncset.done $0x0  }
0x75: {  	[sflag:s29] =	ssyncadd.s32 $0xFFFFE000  }
0x76: {  	[spmem:s2] =	stream.indirect.scatter.add.f32 [tilespmem:s30], [sflag:$0xD], $0x40, s7, s15, $0xb8;
	[tilespmem:$0x1F400] =	vst v63  }
0x77: {  	_ =	swait.ge [sflag:s31], $0x2000  }
0x78: {  	[sflag:s31] =	ssyncset.done $0x0  }
0x79: {  	[sflag:s31] =	ssyncadd.s32 $0xFFFFE000  }
0x7a: {  	[spmem:s2] =	stream.indirect.scatter.add.f32 [tilespmem:s1], [sflag:$0xE], $0x40, s13, s15, $0xb8;
	[tilespmem:$0x1F400] =	vst v63  }
0x7b: {  	_ =	swait.ge [sflag:s0], $0x2000  }
0x7c: {  	[sflag:s0] =	ssyncset.done $0x0  }
0x7d: {  	[sflag:s0] =	ssyncadd.s32 $0xFFFFE000  }
0x7e: {  	[spmem:s2] =	stream.indirect.scatter.add.f32 [tilespmem:s16], [sflag:$0xF], $0x40, s12, s15, $0xb8;
	[tilespmem:$0x1F400] =	vst v63  }
0x7f: {  	_ =	swait.ge [sflag:s18], $0x2000  }
0x80: {  	[sflag:s18] =	ssyncset.done $0x0  }
0x81: {  	[sflag:s18] =	ssyncadd.s32 $0xFFFFE000  }
0x82: {  	[spmem:s2] =	stream.indirect.scatter.add.f32 [tilespmem:s20], [sflag:$0x10], $0x40, s11, s15, $0xb8;
	[tilespmem:$0x1F400] =	vst v63  }
0x83: {  	s11 =	sadd.s32 $0xFFFFFFFD, s22  }
0x84: {  	p3 =	sge.s32 s11, s6  }
0x85: {  	s7 =	simm.s32 @!p3 $0x9  }
0x86: {  	_ =	swait.ge @!p3 [sflag:s7], $0x2000  }
0x87: {  	[sflag:s7] =	ssyncset.done @!p3 $0x0  }
0x88: {  	[sflag:s7] =	ssyncadd.s32 @!p3 $0xFFFFE000;
	s7 =	sshra.s32 @!p3 s5, $0x2  }
0x89: {  	s11 =	simm.s32 @!p3 $0x80;
	s12 =	simm.s32 @!p3 $0xF400;
	s7 =	sadd.s32 @!p3 $0xA200, s7  }
0x8a: {  	[tilespmem:s12], [sflag:$0x1] =	stream.indirect.gather @!p3 [hbm4b:s4+s11], $0x40, s7, s11, $0xb8;
	[tilespmem:$0x1F400] =	vst v63  }
0x8b: {  	s12 =	sadd.s32 $0xFFFFFFFE, s22  }
0x8c: {  	p3 =	sge.s32 s12, s6  }
0x8d: {  	p5 =	seq.s32 @!p3 s10, $0x0  }
0x8e: {  	p5 =	por p5, p3  }
0x8f: {  	s7 =	simm.s32 @!p5 $0xA  }
0x90: {  	_ =	swait.ge @!p5 [sflag:s7], $0x2000  }
0x91: {  	[sflag:s7] =	ssyncset.done @!p5 $0x0  }
0x92: {  	s13 =	sadd.s32 $0xFFFFFFFF, s22;
	[sflag:s7] =	ssyncadd.s32 @!p5 $0xFFFFE000;
	s7 =	sshra.s32 @!p3 s5, $0x2  }
0x93: {  	s11 =	simm.s32 @!p3 $0x80;
	s12 =	simm.s32 @!p3 $0x11400;
	s7 =	sadd.s32 @!p3 $0xA280, s7  }
0x94: {  	[tilespmem:s12], [sflag:$0x2] =	stream.indirect.gather @!p3 [hbm4b:s4+s11], $0x40, s7, s11, $0xb8;
	[tilespmem:$0x1F400] =	vst v63  }
0x95: {  	p3 =	sge.s32 s13, s6  }
0x96: {  	p5 =	seq.s32 @!p3 s10, $0x0  }
0x97: {  	p5 =	por p5, p3  }
0x98: {  	s7 =	simm.s32 @!p5 $0xB  }
0x99: {  	_ =	swait.ge @!p5 [sflag:s7], $0x2000  }
0x9a: {  	[sflag:s7] =	ssyncset.done @!p5 $0x0  }
0x9b: {  	[sflag:s7] =	ssyncadd.s32 @!p5 $0xFFFFE000;
	s7 =	sshra.s32 @!p3 s5, $0x2  }
0x9c: {  	s11 =	simm.s32 @!p3 $0x80;
	s12 =	simm.s32 @!p3 $0x13400;
	s7 =	sadd.s32 @!p3 $0xA300, s7  }
0x9d: {  	[tilespmem:s12], [sflag:$0x3] =	stream.indirect.gather @!p3 [hbm4b:s4+s11], $0x40, s7, s11, $0xb8;
	[tilespmem:$0x1F400] =	vst v63  }
0x9e: {  	p3 =	sge.s32 s22, s6  }
0x9f: {  	p5 =	seq.s32 @!p3 s10, $0x0  }
0xa0: {  	p5 =	por p5, p3  }
0xa1: {  	s7 =	simm.s32 @!p5 $0xC  }
0xa2: {  	_ =	swait.ge @!p5 [sflag:s7], $0x2000  }
0xa3: {  	[sflag:s7] =	ssyncset.done @!p5 $0x0  }
0xa4: {  	[sflag:s7] =	ssyncadd.s32 @!p5 $0xFFFFE000;
	s7 =	sshra.s32 @!p3 s5, $0x2  }
0xa5: {  	s11 =	simm.s32 @!p3 $0x80;
	s12 =	simm.s32 @!p3 $0x15400;
	s7 =	sadd.s32 @!p3 $0xA380, s7  }
0xa6: {  	[tilespmem:s12], [sflag:$0x4] =	stream.indirect.gather @!p3 [hbm4b:s4+s11], $0x40, s7, s11, $0xb8;
	[tilespmem:$0x1F400] =	vst v63  }
.LBB2_5:
0xa7: {  	s10 =	sadd.s32 $0x1, s10  }
0xa8: {  	p3 =	sne.s32 s9, s10  }
.Ltmp4:
0xa9: {  	_ = 	snop;
	(pc) =	sbr.rel @!p3 .LBB2_6-.Ltmp4, $2  }
0xaa: {  	_ =	sdelay $0x2  }
0xab: {  	s5 =	sadd.s32 $0x800, s5;
	s22 =	sadd.s32 $0x4, s22  }
.LBB2_2:
0xac: {  	s7 =	sand.u32 $0x1, s10  }
0xad: {  	p3 =	seq.s32 s7, $0x1  }
.Ltmp5:
0xae: {  	_ = 	snop;
	(pc) =	sbr.rel @p3 .LBB2_4-.Ltmp5, $4  }
0xaf: {  	_ = 	snop  }
0xb0: {  	s11 =	sshra.s32 s5, $0x2  }
0xb1: {  	s7 =	sadd.s32 $0xCA00, s11  }
0xb2: {  	s13 =	sadd.s32 $0xCA80, s11;
	s12 =	sadd.s32 $0xCB00, s11;
	s11 =	sadd.s32 $0xCB80, s11  }
0xb3: {  	_ =	swait.ge [sflag:s24], $0x2000  }
0xb4: {  	[sflag:s24] =	ssyncset.done $0x0  }
0xb5: {  	[sflag:s24] =	ssyncadd.s32 $0xFFFFE000  }
0xb6: {  	[spmem:s2] =	stream.indirect.scatter.add.f32 [tilespmem:s17], [sflag:$0x9], $0x40, s7, s15, $0xb8;
	[tilespmem:$0x1F400] =	vst v63  }
0xb7: {  	_ =	swait.ge [sflag:s25], $0x2000  }
0xb8: {  	[sflag:s25] =	ssyncset.done $0x0  }
0xb9: {  	[sflag:s25] =	ssyncadd.s32 $0xFFFFE000  }
0xba: {  	[spmem:s2] =	stream.indirect.scatter.add.f32 [tilespmem:s19], [sflag:$0xA], $0x40, s13, s15, $0xb8;
	[tilespmem:$0x1F400] =	vst v63  }
0xbb: {  	_ =	swait.ge [sflag:s26], $0x2000  }
0xbc: {  	[sflag:s26] =	ssyncset.done $0x0  }
0xbd: {  	[sflag:s26] =	ssyncadd.s32 $0xFFFFE000  }
0xbe: {  	[spmem:s2] =	stream.indirect.scatter.add.f32 [tilespmem:s21], [sflag:$0xB], $0x40, s12, s15, $0xb8;
	[tilespmem:$0x1F400] =	vst v63  }
0xbf: {  	_ =	swait.ge [sflag:s28], $0x2000  }
0xc0: {  	[sflag:s28] =	ssyncset.done $0x0  }
0xc1: {  	[sflag:s28] =	ssyncadd.s32 $0xFFFFE000  }
0xc2: {  	[spmem:s2] =	stream.indirect.scatter.add.f32 [tilespmem:s23], [sflag:$0xC], $0x40, s11, s15, $0xb8;
	[tilespmem:$0x1F400] =	vst v63  }
0xc3: {  	s11 =	sadd.s32 $0xFFFFFFFD, s22  }
0xc4: {  	p3 =	sge.s32 s11, s6  }
0xc5: {  	p5 =	seq.s32 @!p3 s10, $0x0  }
0xc6: {  	p5 =	por p5, p3  }
0xc7: {  	s7 =	simm.s32 @!p5 $0xD  }
0xc8: {  	_ =	swait.ge @!p5 [sflag:s7], $0x2000  }
0xc9: {  	[sflag:s7] =	ssyncset.done @!p5 $0x0  }
0xca: {  	[sflag:s7] =	ssyncadd.s32 @!p5 $0xFFFFE000;
	s7 =	sshra.s32 @!p3 s5, $0x2  }
0xcb: {  	s11 =	simm.s32 @!p3 $0x80;
	s12 =	simm.s32 @!p3 $0x17400;
	s7 =	sadd.s32 @!p3 $0xA200, s7  }
0xcc: {  	[tilespmem:s12], [sflag:$0x5] =	stream.indirect.gather @!p3 [hbm4b:s4+s11], $0x40, s7, s11, $0xb8;
	[tilespmem:$0x1F400] =	vst v63  }
0xcd: {  	s12 =	sadd.s32 $0xFFFFFFFE, s22  }
0xce: {  	p3 =	sge.s32 s12, s6  }
0xcf: {  	p5 =	seq.s32 @!p3 s10, $0x0  }
0xd0: {  	p5 =	por p5, p3  }
0xd1: {  	s7 =	simm.s32 @!p5 $0xE  }
0xd2: {  	_ =	swait.ge @!p5 [sflag:s7], $0x2000  }
0xd3: {  	[sflag:s7] =	ssyncset.done @!p5 $0x0  }
0xd4: {  	s13 =	sadd.s32 $0xFFFFFFFF, s22;
	[sflag:s7] =	ssyncadd.s32 @!p5 $0xFFFFE000;
	s7 =	sshra.s32 @!p3 s5, $0x2  }
0xd5: {  	s11 =	simm.s32 @!p3 $0x80;
	s12 =	simm.s32 @!p3 $0x19400;
	s7 =	sadd.s32 @!p3 $0xA280, s7  }
0xd6: {  	[tilespmem:s12], [sflag:$0x6] =	stream.indirect.gather @!p3 [hbm4b:s4+s11], $0x40, s7, s11, $0xb8;
	[tilespmem:$0x1F400] =	vst v63  }
0xd7: {  	p3 =	sge.s32 s13, s6  }
0xd8: {  	p5 =	seq.s32 @!p3 s10, $0x0  }
0xd9: {  	p5 =	por p5, p3  }
0xda: {  	s7 =	simm.s32 @!p5 $0xF  }
0xdb: {  	_ =	swait.ge @!p5 [sflag:s7], $0x2000  }
0xdc: {  	[sflag:s7] =	ssyncset.done @!p5 $0x0  }
0xdd: {  	[sflag:s7] =	ssyncadd.s32 @!p5 $0xFFFFE000;
	s7 =	sshra.s32 @!p3 s5, $0x2  }
0xde: {  	s11 =	simm.s32 @!p3 $0x80;
	s12 =	simm.s32 @!p3 $0x1B400;
	s7 =	sadd.s32 @!p3 $0xA300, s7  }
0xdf: {  	[tilespmem:s12], [sflag:$0x7] =	stream.indirect.gather @!p3 [hbm4b:s4+s11], $0x40, s7, s11, $0xb8;
	[tilespmem:$0x1F400] =	vst v63  }
0xe0: {  	p3 =	sge.s32 s22, s6  }
0xe1: {  	p5 =	seq.s32 @!p3 s10, $0x0  }
0xe2: {  	p5 =	por p5, p3  }
0xe3: {  	s7 =	simm.s32 @!p5 $0x10  }
.Ltmp6:
0xe4: {  	_ =	swait.ge @!p5 [sflag:s7], $0x2000;
	(pc) =	sbr.rel .LBB2_5-.Ltmp6, $4  }
0xe5: {  	[sflag:s7] =	ssyncset.done @!p5 $0x0  }
0xe6: {  	[sflag:s7] =	ssyncadd.s32 @!p5 $0xFFFFE000;
	s7 =	sshra.s32 @!p3 s5, $0x2  }
0xe7: {  	s11 =	simm.s32 @!p3 $0x80;
	s12 =	simm.s32 @!p3 $0x1D400;
	s7 =	sadd.s32 @!p3 $0xA380, s7  }
0xe8: {  	[tilespmem:s12], [sflag:$0x8] =	stream.indirect.gather @!p3 [hbm4b:s4+s11], $0x40, s7, s11, $0xb8;
	[tilespmem:$0x1F400] =	vst v63  }
.LBB2_7:
0xe9: {  	_ =	sfence.sel $0x180000  }
0xea: {  	[bflag:$0x0] =	sbarrier.arrive $0xFFFF  }
0xeb: {  	_ =	strace $0x9000004A  }
0xec: {  	s0 =	stileid.u32;
	[bflag:$0x2] =	sbarrier.arrive $0xFFFF  }
0xed: {  	p0 =	sne.s32 s0, $0x0;
	s0 =	rddreg [dreg:$0x3]  }
0xee: {  	s0 =	sadd.s32 @!p0 $0x100000, s0  }
0xef: {  	[sflag:s0] =	ssyncadd.tile.s32 @!p0 $0x1;
	_ =	shalt  }
.Lfunc_end2:
_tile_overlayer_lowered:
.L_overlay_start_2:
0xf0: {  	(tag) =	ssettag $0x2  }
0xf1: {  	s0 =	rddreg [dreg:$0x0];
	s2 =	stileid.u32  }
0xf2: {  	s1 =	rddreg [dreg:$0x1];
	p0 =	sne.s32 s2, $0x0  }
0xf3: {  	s3 =	rddreg [dreg:$0x2];
	[bflag:$0x3] =	sbarrier.arrive $0xFFFF;
	s2 =	simm.s32 @!p0 $0x1C11  }
0xf4: {  	[timem:s3], [sflag:s2] =	dma.local @!p0 [hbm:s0], s1  }
0xf5: {  	s0 =	simm.s32 @!p0 $0x11  }
0xf6: {  	_ =	swait.ge @!p0 [sflag:s0], s1  }
0xf7: {  	s1 =	ssub.s32 @!p0 $0x0, s1;
	[sflag:s0] =	ssyncset.done @!p0 $0x0  }
0xf8: {  	[sflag:s0] =	ssyncadd.s32 @!p0 s1  }
0xf9: {  	[bflag:$0x3] =	sbarrier.arrive $0xFFFF  }
0xfa: {  	_ =	shalt  }

</sc_bundles>
